<compile_context>
chip_gen: v7x
topology: tpu7x:2x2x1
jax: 0.10.2.dev20260603
libtpu: 0.0.44.dev20260713+nightly
codegen_flags: <defaults>
</compile_context>

<pallas_src>
import functools
import jax
import jax.numpy as jnp
from jax import lax
from jax.experimental import pallas as pl
from jax.experimental.pallas import tpu as pltpu
from jax.experimental.pallas import tpu_sc as plsc

_D = 128
_NUM_REL = 16
_NUM_LAYERS = 3
_NODE_RATIO = 0.1
_DELTA = 1.0


def _score_rows(hid, rel, lwh_ref, lwr_ref, lb_ref, w1_ref, b1_ref, w2_ref,
                b2_ref):
    heur = (jnp.dot(hid, lwh_ref[...], preferred_element_type=jnp.float32)
            + jnp.dot(rel, lwr_ref[...], preferred_element_type=jnp.float32)
            + lb_ref[...])
    x = heur * hid
    y = jax.nn.relu(jnp.dot(x, w1_ref[...], preferred_element_type=jnp.float32)
                    + b1_ref[...])
    return jnp.sum(y * w2_ref[...], axis=1, keepdims=True) + b2_ref[...]


def _layer_body(idx_ref, hid_ref, sc_ref, app_ref, srow_ref, w_ref, b_ref,
                rel_ref, lwh_ref, lwr_ref, lb_ref, w1_ref, b1_ref, w2_ref,
                b2_ref, hid_out, sc_out, rows_scr, *, kk, full_score):
    def gbody(j, c):
        r = idx_ref[j]
        rows_scr[pl.ds(j, 1), :] = hid_ref[pl.ds(r, 1), :]
        return c

    lax.fori_loop(0, kk, gbody, 0)
    hs = rows_scr[...]
    nh = (jnp.dot(hs, w_ref[:_D], preferred_element_type=jnp.float32)
          + jnp.dot(srow_ref[...], w_ref[_D:],
                    preferred_element_type=jnp.float32)
          + b_ref[...])
    newr = hs + app_ref[...] * nh
    rows_scr[...] = newr

    hid_out[...] = hid_ref[...]

    def sbody(j, c):
        r = idx_ref[j]
        hid_out[pl.ds(r, 1), :] = rows_scr[pl.ds(j, 1), :]
        return c

    lax.fori_loop(0, kk, sbody, 0)

    rel_row = rel_ref[...]
    if full_score:
        sc_out[...] = _score_rows(hid_out[...], rel_row, lwh_ref, lwr_ref,
                                  lb_ref, w1_ref, b1_ref, w2_ref, b2_ref)
    else:
        sc_out[...] = sc_ref[...]
        svals = _score_rows(newr, rel_row, lwh_ref, lwr_ref, lb_ref, w1_ref,
                            b1_ref, w2_ref, b2_ref)
        rows_scr[:, 0:1] = svals

        def scb(j, c):
            r = idx_ref[j]
            sc_out[pl.ds(r, 1), :] = rows_scr[pl.ds(j, 1), 0:1]
            return c

        lax.fori_loop(0, kk, scb, 0)


def _layer_pallas(idx, hid0, sc0, app_sel, scaled_row, postW, post_b, rel_row,
                  lin_W, lin_b, W1, b1, W2, b2, *, full_score):
    Nn = hid0.shape[0]
    kk = idx.shape[0]
    spec = pltpu.PrefetchScalarGridSpec(
        num_scalar_prefetch=1,
        grid=(1,),
        in_specs=[
            pl.BlockSpec((Nn, _D), lambda i, s: (0, 0)),
            pl.BlockSpec((Nn, 1), lambda i, s: (0, 0)),
            pl.BlockSpec((kk, 1), lambda i, s: (0, 0)),
            pl.BlockSpec((1, 12 * _D), lambda i, s: (0, 0)),
            pl.BlockSpec((13 * _D, _D), lambda i, s: (0, 0)),
            pl.BlockSpec((1, _D), lambda i, s: (0, 0)),
            pl.BlockSpec((1, _D), lambda i, s: (0, 0)),
            pl.BlockSpec((_D, _D), lambda i, s: (0, 0)),
            pl.BlockSpec((_D, _D), lambda i, s: (0, 0)),
            pl.BlockSpec((1, _D), lambda i, s: (0, 0)),
            pl.BlockSpec((_D, _D), lambda i, s: (0, 0)),
            pl.BlockSpec((1, _D), lambda i, s: (0, 0)),
            pl.BlockSpec((1, _D), lambda i, s: (0, 0)),
            pl.BlockSpec((1, 1), lambda i, s: (0, 0)),
        ],
        out_specs=[
            pl.BlockSpec((Nn, _D), lambda i, s: (0, 0)),
            pl.BlockSpec((Nn, 1), lambda i, s: (0, 0)),
        ],
        scratch_shapes=[pltpu.VMEM((kk, _D), jnp.float32)],
    )
    body = functools.partial(_layer_body, kk=kk, full_score=full_score)
    hid_new, sc_new = pl.pallas_call(
        body,
        grid_spec=spec,
        out_shape=[
            jax.ShapeDtypeStruct((Nn, _D), jnp.float32),
            jax.ShapeDtypeStruct((Nn, 1), jnp.float32),
        ],
    )(idx, hid0, sc0, app_sel, scaled_row, postW, post_b[None, :], rel_row,
      lin_W[:_D], lin_W[_D:], lin_b[None, :], W1, b1[None, :],
      W2[:, 0][None, :], b2[None, :])
    return hid_new, sc_new


def _score_body(hid_ref, rel_ref, lwh_ref, lwr_ref, lb_ref, w1_ref, b1_ref,
                w2_ref, b2_ref, out_ref):
    out_ref[...] = _score_rows(hid_ref[...], rel_ref[...], lwh_ref, lwr_ref,
                               lb_ref, w1_ref, b1_ref, w2_ref, b2_ref)


def _score_pallas(hid, rel, lin_W, lin_b, W1, b1, W2, b2):
    rows = hid.shape[0]
    out = pl.pallas_call(
        _score_body,
        grid=(1,),
        in_specs=[
            pl.BlockSpec((rows, _D), lambda i: (0, 0)),
            pl.BlockSpec((rows, _D), lambda i: (0, 0)),
            pl.BlockSpec((_D, _D), lambda i: (0, 0)),
            pl.BlockSpec((_D, _D), lambda i: (0, 0)),
            pl.BlockSpec((1, _D), lambda i: (0, 0)),
            pl.BlockSpec((_D, _D), lambda i: (0, 0)),
            pl.BlockSpec((1, _D), lambda i: (0, 0)),
            pl.BlockSpec((1, _D), lambda i: (0, 0)),
            pl.BlockSpec((1, 1), lambda i: (0, 0)),
        ],
        out_specs=pl.BlockSpec((rows, 1), lambda i: (0, 0)),
        out_shape=jax.ShapeDtypeStruct((rows, 1), jnp.float32),
    )(hid, rel, lin_W[:_D], lin_W[_D:], lin_b[None, :], W1, b1[None, :],
      W2[:, 0][None, :], b2[None, :])
    return out[:, 0]


def _appears_counts_sc(ids, Nn):
    NC, NS = 2, 16
    total = ids.shape[0]
    chunk = total // (NC * NS)
    mesh = plsc.VectorSubcoreMesh(core_axis_name="c", subcore_axis_name="s")

    @functools.partial(
        pl.kernel, mesh=mesh,
        out_type=jax.ShapeDtypeStruct((NC, Nn), jnp.float32),
        scratch_types=[
            pltpu.VMEM((chunk,), jnp.int32),
            pltpu.VMEM((chunk,), jnp.float32),
            pltpu.VMEM((Nn,), jnp.float32),
            pltpu.VMEM_SHARED((Nn,), jnp.float32),
        ],
    )
    def k(ids_hbm, out_hbm, idx_v, ones_v, zeros_v, shared):
        c = lax.axis_index("c")
        s = lax.axis_index("s")
        base = (c * NS + s) * chunk

        def fill_ones(i, carry):
            ones_v[pl.ds(i * 16, 16)] = jnp.full((16,), 1.0, jnp.float32)
            return carry

        lax.fori_loop(0, chunk // 16, fill_ones, 0)

        @pl.when(s == 0)
        def _():
            def fill_zeros(i, carry):
                zeros_v[pl.ds(i * 16, 16)] = jnp.zeros((16,), jnp.float32)
                return carry

            lax.fori_loop(0, Nn // 16, fill_zeros, 0)
            pltpu.sync_copy(zeros_v, shared)

        pltpu.sync_copy(ids_hbm.at[pl.ds(base, chunk)], idx_v)
        plsc.subcore_barrier()
        pltpu.sync_copy(ones_v, shared.at[idx_v], add=True)
        plsc.subcore_barrier()

        @pl.when(s == 0)
        def _():
            pltpu.sync_copy(shared, out_hbm.at[c])

    return k(ids)


def kernel(h_index, r_index, t_index, hidden_states, rel_hidden_states,
           edge_index, score_text_embs, all_index, rel_table, lin_W, lin_b,
           mlp_W1, mlp_b1, mlp_W2, mlp_b2, pre_W, pre_b, post_W, post_b):
    del rel_hidden_states, all_index, pre_W, pre_b
    Bn, K = h_index.shape
    Nn = score_text_embs.shape[0]
    kk = max(1, int(_NODE_RATIO * Nn))

    is_t_neg = jnp.all(h_index == h_index[:, :1], axis=-1, keepdims=True)
    h = jnp.where(is_t_neg, h_index, t_index)
    t = jnp.where(is_t_neg, t_index, h_index)
    r = jnp.where(is_t_neg, r_index, r_index + _NUM_REL)
    head_orig = h[:, 0]
    rel_emb = rel_table[r[:, 0]]

    counts2 = _appears_counts_sc(edge_index.reshape(-1), Nn)
    appears = (counts2[0] + counts2[1]) > 0.0

    hid0 = score_text_embs.at[head_orig[0]].set(hidden_states[0])
    hid1 = score_text_embs.at[head_orig[1]].set(hidden_states[1])

    def _score_small(hid2, rel2):
        hh = jnp.concatenate([hid2, rel2], axis=-1)
        heur = hh @ lin_W + lin_b
        x = heur * hid2
        y = jax.nn.relu(x @ mlp_W1 + mlp_b1) @ mlp_W2 + mlp_b2
        return y[..., 0]

    background = _score_small(jnp.zeros_like(rel_emb), rel_emb)
    head_score = _score_small(hidden_states, rel_emb)
    score0 = jnp.full((Nn,), background[0]).at[head_orig[0]].set(head_score[0])
    sc0 = score0[:, None]

    std_c = jnp.sqrt(jnp.float32(0.0) + 1e-5)
    lg2 = jnp.log(jnp.float32(2.0))
    zeros_blk = jnp.zeros((3 * _D,), jnp.float32)
    std_blk = jnp.full((_D,), std_c, jnp.float32)
    scaled_row = jnp.concatenate([
        zeros_blk, std_blk,
        zeros_blk, std_blk * (lg2 / _DELTA),
        zeros_blk, std_blk * (_DELTA / lg2),
    ])[None, :]

    rel_row = rel_emb[0:1]
    for li in range(_NUM_LAYERS):
        _, idx = jax.lax.top_k(sc0[:, 0], kk)
        app_sel = appears[idx].astype(jnp.float32)[:, None]
        hid0, sc0 = _layer_pallas(idx, hid0, sc0, app_sel, scaled_row,
                                  post_W[li], post_b[li], rel_row, lin_W,
                                  lin_b, mlp_W1, mlp_b1, mlp_W2, mlp_b2,
                                  full_score=(li == 0))

    t_flat = t.reshape(-1)
    hid_t = jnp.where((jnp.arange(Bn * K) < K)[:, None],
                      hid0[t_flat], hid1[t_flat])
    rel_t = jnp.repeat(rel_emb, K, axis=0)
    sc_t = _score_pallas(hid_t, rel_t, lin_W, lin_b, mlp_W1, mlp_b1,
                         mlp_W2, mlp_b2)
    return sc_t.reshape(Bn, K)

# --- scband reference (transcript-rebuilt; emitter-appended) ---
"""Pipeline reference for scband-conditioned-pna-87076166959718 (READ-ONLY COPY).

The authoritative reference and input builder live on the scoring server;
editing this copy changes nothing except your own understanding.
"""

import jax, jax.numpy as jnp
import numpy as np

B = 2; K = 32; D = 128; N = 10000; E = 160000
NUM_REL = 16; NUM_LAYERS = 3; NODE_RATIO = 0.1; DELTA = 1.0


def _score(hidden, rel, lin_W, lin_b, W1, b1, W2, b2):
    h = jnp.concatenate([hidden, rel], axis=-1)
    heur = h @ lin_W + lin_b
    x = heur * hidden
    y = jax.nn.relu(x @ W1 + b1) @ W2 + b2
    return y[..., 0]


def _forward(h_index, r_index, t_index, hidden_states, rel_hidden_states, edge_index,
             score_text_embs, all_index, rel_table, lin_W, lin_b, mlp_W1, mlp_b1,
             mlp_W2, mlp_b2, pre_W, pre_b, post_W, post_b):
    score_fn = lambda hid, rel: _score(hid, rel, lin_W, lin_b, mlp_W1, mlp_b1, mlp_W2, mlp_b2)
    # negative_sample_to_tail
    is_t_neg = jnp.all(h_index == h_index[:, :1], axis=-1, keepdims=True)
    h = jnp.where(is_t_neg, h_index, t_index)
    t = jnp.where(is_t_neg, t_index, h_index)
    r = jnp.where(is_t_neg, r_index, r_index + NUM_REL)
    Bn = h.shape[0]
    Nn = score_text_embs.shape[0]
    BN = Bn * Nn
    offsets = jnp.arange(Bn) * Nn
    # repeat_graph (replicates torch .view(2,-1) memory-order exactly)
    x_rep = jnp.tile(score_text_embs, (Bn, 1))
    e_rep = (edge_index[None, :, :] + offsets[:, None, None]).reshape(2, -1)
    batch_rep = jnp.repeat(jnp.arange(Bn), Nn)
    head_orig = h[:, 0]
    tail_orig = t[:, 0]
    h_idx = head_orig + offsets
    t_idx = tail_orig + offsets
    rel_emb = rel_table[r[:, 0]]
    h_emb = hidden_states
    t_emb = score_text_embs[tail_orig]
    # init_input_embeds
    x_rep = x_rep.at[t_idx].set(t_emb)
    x_rep = x_rep.at[h_idx].set(h_emb)
    background = score_fn(jnp.zeros_like(rel_emb), rel_emb)
    score = background[batch_rep]
    score = score.at[h_idx].set(score_fn(h_emb, rel_emb))
    # aggregate_pyg
    hidden = x_rep
    rel_per_node = rel_emb[batch_rep]
    row0, col0 = e_rep[0], e_rep[1]
    kk = max(1, int(NODE_RATIO * Nn))
    for li in range(NUM_LAYERS):
        s2d = score.reshape(Bn, Nn)
        _, idx = jax.lax.top_k(s2d, kk)
        node_sel = jnp.zeros((Bn, Nn), dtype=bool).at[jnp.arange(Bn)[:, None], idx].set(True).reshape(-1)
        emask = node_sel[row0]  # degree_ratio=1.0 keeps all incident edges
        w = emask.astype(jnp.float32)
        # PNAConv: pre-net on [x_i, x_j], masked multi-aggregation, scalers, post-net
        msg = jax.nn.relu(jnp.concatenate([hidden[col0], hidden[row0]], axis=-1) @ pre_W[li] + pre_b[li])
        cnt = jax.ops.segment_sum(w, col0, num_segments=BN)
        s1 = jax.ops.segment_sum(msg * w[:, None], col0, num_segments=BN)
        s2 = jax.ops.segment_sum(msg * msg * w[:, None], col0, num_segments=BN)
        denom = jnp.maximum(cnt, 1.0)[:, None]
        mean = s1 / denom
        var = jax.nn.relu(s2 / denom - mean * mean)
        std = jnp.sqrt(var + 1e-5)
        big = jnp.float32(1e30)
        mx = jax.ops.segment_max(jnp.where(emask[:, None], msg, -big), col0, num_segments=BN)
        mn = jax.ops.segment_min(jnp.where(emask[:, None], msg, big), col0, num_segments=BN)
        has = (cnt > 0)[:, None]
        mx = jnp.where(has, mx, 0.0)
        mn = jnp.where(has, mn, 0.0)
        aggr = jnp.concatenate([mean, mx, mn, std], axis=-1)
        degc = jnp.maximum(cnt, 1.0)
        amp = (jnp.log(degc + 1.0) / DELTA)[:, None]
        att = (DELTA / jnp.log(degc + 1.0))[:, None]
        scaled = jnp.concatenate([aggr, aggr * amp, aggr * att], axis=-1)
        new_hidden = jnp.concatenate([hidden, scaled], axis=-1) @ post_W[li] + post_b[li]
        out_deg = jax.ops.segment_sum(w, row0, num_segments=BN)
        hidden = jnp.where((out_deg > 0)[:, None], hidden + new_hidden, hidden)
        score = score_fn(hidden, rel_per_node)
    return jnp.take_along_axis(score.reshape(Bn, Nn), t, axis=1)


def setup_inputs(seed: int = 0):
    key = jax.random.key(seed)
    ks = iter(jax.random.split(key, 32))
    inp = {
        'h_index': jax.random.randint(next(ks), (B, K), 0, N),
        'r_index': jax.random.randint(next(ks), (B, K), 0, NUM_REL),
        't_index': jax.random.randint(next(ks), (B, K), 0, N),
        'hidden_states': jax.random.normal(next(ks), (B, D), dtype=jnp.float32),
        'rel_hidden_states': jax.random.normal(next(ks), (B, D), dtype=jnp.float32),
        'edge_index': jax.random.randint(next(ks), (2, E), 0, N),
        'score_text_embs': jax.random.normal(next(ks), (N, D), dtype=jnp.float32),
        'all_index': jnp.arange(N),
        'rel_table': jax.random.normal(next(ks), (2 * NUM_REL, D), dtype=jnp.float32) * 0.05,
        'lin_W': jax.random.normal(next(ks), (2 * D, D), dtype=jnp.float32) * 0.05,
        'lin_b': jnp.zeros((D,), dtype=jnp.float32),
        'mlp_W1': jax.random.normal(next(ks), (D, D), dtype=jnp.float32) * 0.05,
        'mlp_b1': jnp.zeros((D,), dtype=jnp.float32),
        'mlp_W2': jax.random.normal(next(ks), (D, 1), dtype=jnp.float32) * 0.05,
        'mlp_b2': jnp.zeros((1,), dtype=jnp.float32),
        'pre_W': jax.random.normal(next(ks), (NUM_LAYERS, 2 * D, D), dtype=jnp.float32) * 0.05,
        'pre_b': jnp.zeros((NUM_LAYERS, D), dtype=jnp.float32),
        'post_W': jax.random.normal(next(ks), (NUM_LAYERS, 13 * D, D), dtype=jnp.float32) * 0.05,
        'post_b': jnp.zeros((NUM_LAYERS, D), dtype=jnp.float32),
    }
    return inp


def reference(h_index, r_index, t_index, hidden_states, rel_hidden_states, edge_index,
              score_text_embs, all_index, rel_table, lin_W, lin_b, mlp_W1, mlp_b1,
              mlp_W2, mlp_b2, pre_W, pre_b, post_W, post_b):
    return _forward(h_index, r_index, t_index, hidden_states, rel_hidden_states, edge_index,
                    score_text_embs, all_index, rel_table, lin_W, lin_b, mlp_W1, mlp_b1,
                    mlp_W2, mlp_b2, pre_W, pre_b, post_W, post_b)

if __name__ == "__main__":
    import jax
    _d = setup_inputs()
    print(jax.jit(kernel)(*tuple(_d.values())))

</pallas_src>

<mosaic_0001>
#map = affine_map<(d0, d1) -> (0)>
#map1 = affine_map<(d0, d1) -> (0, 0)>
module attributes {stable_mosaic.version = 14 : i64} {
  func.func @k(%arg0: i32, %arg1: i32, %arg2: memref<320000xi32, #tpu.memory_space<hbm>>, %arg3: memref<2x10000xf32, #tpu.memory_space<hbm>>, %arg4: memref<10000xi32, #tpu.memory_space<vmem>>, %arg5: memref<10000xf32, #tpu.memory_space<vmem>>, %arg6: memref<10000xf32, #tpu.memory_space<vmem>>, %arg7: memref<10000xf32, #tpu.memory_space<vmem_shared>>) attributes {dimension_semantics = [#tpu.dimension_semantics<core_parallel>, #tpu.dimension_semantics<subcore_parallel>], iteration_bounds = array<i64: 2, 16>, scalar_prefetch = 0 : i64, scratch_operands = 4 : i64, tpu.core_type = #tpu.core_type<sc_vector_subcore>, window_params = [{transform_indices = #map}, {transform_indices = #map1}]} {
    %mul3A = arith.constant 16 : i32
    %mul3A_0 = arith.muli %arg0, %mul3A : i32
    %add3A = arith.addi %mul3A_0, %arg1 : i32
    %mul3A_1 = arith.constant 10000 : i32
    %mul3A_2 = arith.muli %add3A, %mul3A_1 : i32
    %scan3A = arith.constant 0 : i32
    %scan3A_3 = arith.constant 0 : i32
    %scan3A_4 = arith.constant 625 : i32
    %scan3A_5 = arith.addi %scan3A_3, %scan3A_4 : i32
    %scan3A_6 = arith.constant 1 : i32
    scf.for %scan3A_16 = %scan3A_3 to %scan3A_5 step %scan3A_6  : i32 {
      %broadcast_in_dim3A = arith.constant 1.000000e+00 : f32
      %broadcast_in_dim3A_17 = vector.broadcast %broadcast_in_dim3A : f32 to vector<16xf32>
      %mul3A_18 = arith.constant 16 : i32
      %mul3A_19 = arith.muli %scan3A_16, %mul3A_18 : i32
      %swap3A = arith.index_cast %mul3A_19 : i32 to index
      %swap3A_20 = tpu.vector_load %arg5[%swap3A] {strides = array<i32>} : memref<10000xf32, #tpu.memory_space<vmem>>, vector<16xf32>,
      %swap3A_21 = vector.shape_cast %swap3A_20 : vector<16xf32> to vector<16xf32>
      %swap3A_22 = vector.shape_cast %broadcast_in_dim3A_17 : vector<16xf32> to vector<16xf32>
      tpu.vector_store %arg5[%swap3A], %swap3A_22 {strides = array<i32>} : memref<10000xf32, #tpu.memory_space<vmem>>, vector<16xf32>,
    }
    %scan3A_7 = arith.constant 625 : i32
    %eq3A = arith.constant 0 : i32
    %eq3A_8 = arith.cmpi eq, %arg1, %eq3A : i32
    %convert_element_type3A = arith.extui %eq3A_8 : i1 to i32
    %cond3A = arith.constant 0 : i32
    %cond3A_9 = arith.cmpi ne, %convert_element_type3A, %cond3A : i32
    scf.if %cond3A_9 {
      %scan3A_16 = arith.constant 0 : i32
      %scan3A_17 = arith.constant 0 : i32
      %scan3A_18 = arith.constant 625 : i32
      %scan3A_19 = arith.addi %scan3A_17, %scan3A_18 : i32
      %scan3A_20 = arith.constant 1 : i32
      scf.for %scan3A_22 = %scan3A_17 to %scan3A_19 step %scan3A_20  : i32 {
        %broadcast_in_dim3A = arith.constant 0.000000e+00 : f32
        %broadcast_in_dim3A_23 = vector.broadcast %broadcast_in_dim3A : f32 to vector<16xf32>
        %mul3A_24 = arith.constant 16 : i32
        %mul3A_25 = arith.muli %scan3A_22, %mul3A_24 : i32
        %swap3A = arith.index_cast %mul3A_25 : i32 to index
        %swap3A_26 = tpu.vector_load %arg6[%swap3A] {strides = array<i32>} : memref<10000xf32, #tpu.memory_space<vmem>>, vector<16xf32>,
        %swap3A_27 = vector.shape_cast %swap3A_26 : vector<16xf32> to vector<16xf32>
        %swap3A_28 = vector.shape_cast %broadcast_in_dim3A_23 : vector<16xf32> to vector<16xf32>
        tpu.vector_store %arg6[%swap3A], %swap3A_28 {strides = array<i32>} : memref<10000xf32, #tpu.memory_space<vmem>>, vector<16xf32>,
      }
      %scan3A_21 = arith.constant 625 : i32
      "tpu.region"() ({
        %run_scoped3A = tpu.sem_alloc : memref<!tpu.dma_semaphore, #tpu.memory_space<semaphore_mem>>
        tpu.enqueue_dma source(%arg6 : memref<10000xf32, #tpu.memory_space<vmem>>) target(%arg7 : memref<10000xf32, #tpu.memory_space<vmem_shared>>) target_semaphore(%run_scoped3A : memref<!tpu.dma_semaphore, #tpu.memory_space<semaphore_mem>>)
        tpu.wait_dma2 semaphore(%run_scoped3A : memref<!tpu.dma_semaphore, #tpu.memory_space<semaphore_mem>>) src(%arg6 : memref<10000xf32, #tpu.memory_space<vmem>>) dst(%arg7 : memref<10000xf32, #tpu.memory_space<vmem_shared>>)
        tpu.yield
      }) : () -> ()
    } else {
    }
    "tpu.region"() ({
      %run_scoped3A = tpu.sem_alloc : memref<!tpu.dma_semaphore, #tpu.memory_space<semaphore_mem>>
      %dma_start3A = tpu.memref_slice %arg2[%mul3A_2] : memref<320000xi32, #tpu.memory_space<hbm>> -> memref<10000xi32, #tpu.memory_space<hbm>>
      %dma_start3A_16 = tpu.memref_slice %arg2[%mul3A_2] : memref<320000xi32, #tpu.memory_space<hbm>> -> memref<10000xi32, #tpu.memory_space<hbm>>
      tpu.enqueue_dma source(%dma_start3A_16 : memref<10000xi32, #tpu.memory_space<hbm>>) target(%arg4 : memref<10000xi32, #tpu.memory_space<vmem>>) target_semaphore(%run_scoped3A : memref<!tpu.dma_semaphore, #tpu.memory_space<semaphore_mem>>)
      %dma_wait3A = tpu.memref_slice %arg2[%mul3A_2] : memref<320000xi32, #tpu.memory_space<hbm>> -> memref<10000xi32, #tpu.memory_space<hbm>>
      %dma_wait3A_17 = tpu.memref_slice %arg2[%mul3A_2] : memref<320000xi32, #tpu.memory_space<hbm>> -> memref<10000xi32, #tpu.memory_space<hbm>>
      tpu.wait_dma2 semaphore(%run_scoped3A : memref<!tpu.dma_semaphore, #tpu.memory_space<semaphore_mem>>) src(%dma_wait3A_17 : memref<10000xi32, #tpu.memory_space<hbm>>) dst(%arg4 : memref<10000xi32, #tpu.memory_space<vmem>>)
      tpu.yield
    }) : () -> ()
    %barrier3A = arith.constant 0 : index
    tpu.barrier barrier_id(%barrier3A)
    "tpu.region"() ({
      %run_scoped3A = tpu.sem_alloc : memref<!tpu.dma_semaphore, #tpu.memory_space<semaphore_mem>>
      %dma_start3A = arith.constant 0 : i32
      %dma_start3A_16 = tpu.memref_slice %arg7[%dma_start3A] : memref<10000xf32, #tpu.memory_space<vmem_shared>> -> memref<10000xf32, #tpu.memory_space<vmem_shared>>
      tpu.enqueue_indirect_dma source(%arg5 : memref<10000xf32, #tpu.memory_space<vmem>>) target(%dma_start3A_16 : memref<10000xf32, #tpu.memory_space<vmem_shared>>) offsets(%arg4 : memref<10000xi32, #tpu.memory_space<vmem>>) semaphore(%run_scoped3A : memref<!tpu.dma_semaphore, #tpu.memory_space<semaphore_mem>>) {add = true}
      %dma_wait3A = arith.constant 0 : i32
      %dma_wait3A_17 = tpu.memref_slice %arg7[%dma_wait3A] : memref<10000xf32, #tpu.memory_space<vmem_shared>> -> memref<10000xf32, #tpu.memory_space<vmem_shared>>
      tpu.wait_indirect_dma semaphore(%run_scoped3A : memref<!tpu.dma_semaphore, #tpu.memory_space<semaphore_mem>>) src(%arg5 : memref<10000xf32, #tpu.memory_space<vmem>>) dst(%dma_wait3A_17 : memref<10000xf32, #tpu.memory_space<vmem_shared>>)
      tpu.yield
    }) : () -> ()
    %barrier3A_10 = arith.constant 0 : index
    tpu.barrier barrier_id(%barrier3A_10)
    %eq3A_11 = arith.constant 0 : i32
    %eq3A_12 = arith.cmpi eq, %arg1, %eq3A_11 : i32
    %convert_element_type3A_13 = arith.extui %eq3A_12 : i1 to i32
    %cond3A_14 = arith.constant 0 : i32
    %cond3A_15 = arith.cmpi ne, %convert_element_type3A_13, %cond3A_14 : i32
    scf.if %cond3A_15 {
      "tpu.region"() ({
        %run_scoped3A = tpu.sem_alloc : memref<!tpu.dma_semaphore, #tpu.memory_space<semaphore_mem>>
        %dma_start3A = arith.constant 0 : i32
        %dma_start3A_16 = tpu.memref_slice %arg3[%arg0, %dma_start3A] : memref<2x10000xf32, #tpu.memory_space<hbm>> -> memref<1x10000xf32, #tpu.memory_space<hbm>>
        %dma_start3A_17 = tpu.memref_squeeze %dma_start3A_16 : memref<1x10000xf32, #tpu.memory_space<hbm>> -> memref<10000xf32, #tpu.memory_space<hbm>>
        tpu.enqueue_dma source(%arg7 : memref<10000xf32, #tpu.memory_space<vmem_shared>>) target(%dma_start3A_17 : memref<10000xf32, #tpu.memory_space<hbm>>) target_semaphore(%run_scoped3A : memref<!tpu.dma_semaphore, #tpu.memory_space<semaphore_mem>>)
        %dma_wait3A = arith.constant 0 : i32
        %dma_wait3A_18 = tpu.memref_slice %arg3[%arg0, %dma_wait3A] : memref<2x10000xf32, #tpu.memory_space<hbm>> -> memref<1x10000xf32, #tpu.memory_space<hbm>>
        %dma_wait3A_19 = tpu.memref_squeeze %dma_wait3A_18 : memref<1x10000xf32, #tpu.memory_space<hbm>> -> memref<10000xf32, #tpu.memory_space<hbm>>
        tpu.wait_dma2 semaphore(%run_scoped3A : memref<!tpu.dma_semaphore, #tpu.memory_space<semaphore_mem>>) src(%arg7 : memref<10000xf32, #tpu.memory_space<vmem_shared>>) dst(%dma_wait3A_19 : memref<10000xf32, #tpu.memory_space<hbm>>)
        tpu.yield
      }) : () -> ()
    } else {
    }
    return
  }
}

module attributes {stable_mosaic.version = 14 : i64} {
  func.func @_layer_body(%arg0: i32, %arg1: memref<1000xi32, #tpu.memory_space<smem>>, %arg2: memref<10000x128xf32, #tpu.memory_space<vmem>>, %arg3: memref<10000x1xf32, #tpu.memory_space<vmem>>, %arg4: memref<1000x1xf32, #tpu.memory_space<vmem>>, %arg5: memref<1x1536xf32, #tpu.memory_space<vmem>>, %arg6: memref<1664x128xf32, #tpu.memory_space<vmem>>, %arg7: memref<1x128xf32, #tpu.memory_space<vmem>>, %arg8: memref<1x128xf32, #tpu.memory_space<vmem>>, %arg9: memref<128x128xf32, #tpu.memory_space<vmem>>, %arg10: memref<128x128xf32, #tpu.memory_space<vmem>>, %arg11: memref<1x128xf32, #tpu.memory_space<vmem>>, %arg12: memref<128x128xf32, #tpu.memory_space<vmem>>, %arg13: memref<1x128xf32, #tpu.memory_space<vmem>>, %arg14: memref<1x128xf32, #tpu.memory_space<vmem>>, %arg15: memref<1x1xf32, #tpu.memory_space<vmem>>, %arg16: memref<10000x128xf32, #tpu.memory_space<vmem>>, %arg17: memref<10000x1xf32, #tpu.memory_space<vmem>>, %arg18: memref<1000x128xf32, #tpu.memory_space<vmem>>) attributes {dimension_semantics = [#tpu.dimension_semantics<arbitrary>], iteration_bounds = array<i64: 1>, scalar_prefetch = 1 : i64, scratch_operands = 1 : i64, tpu.core_type = #tpu.core_type<tc>, window_params = [{pipeline_mode = #tpu.pipeline_mode<synchronous>, transform_indices = @transform_0, window_bounds = array<i64: 10000, 128>}, {pipeline_mode = #tpu.pipeline_mode<synchronous>, transform_indices = @transform_1, window_bounds = array<i64: 10000, 1>}, {pipeline_mode = #tpu.pipeline_mode<synchronous>, transform_indices = @transform_2, window_bounds = array<i64: 1000, 1>}, {pipeline_mode = #tpu.pipeline_mode<synchronous>, transform_indices = @transform_3, window_bounds = array<i64: 1, 1536>}, {pipeline_mode = #tpu.pipeline_mode<synchronous>, transform_indices = @transform_4, window_bounds = array<i64: 1664, 128>}, {pipeline_mode = #tpu.pipeline_mode<synchronous>, transform_indices = @transform_5, window_bounds = array<i64: 1, 128>}, {pipeline_mode = #tpu.pipeline_mode<synchronous>, transform_indices = @transform_6, window_bounds = array<i64: 1, 128>}, {pipeline_mode = #tpu.pipeline_mode<synchronous>, transform_indices = @transform_7, window_bounds = array<i64: 128, 128>}, {pipeline_mode = #tpu.pipeline_mode<synchronous>, transform_indices = @transform_8, window_bounds = array<i64: 128, 128>}, {pipeline_mode = #tpu.pipeline_mode<synchronous>, transform_indices = @transform_9, window_bounds = array<i64: 1, 128>}, {pipeline_mode = #tpu.pipeline_mode<synchronous>, transform_indices = @transform_10, window_bounds = array<i64: 128, 128>}, {pipeline_mode = #tpu.pipeline_mode<synchronous>, transform_indices = @transform_11, window_bounds = array<i64: 1, 128>}, {pipeline_mode = #tpu.pipeline_mode<synchronous>, transform_indices = @transform_12, window_bounds = array<i64: 1, 128>}, {pipeline_mode = #tpu.pipeline_mode<synchronous>, transform_indices = @transform_13, window_bounds = array<i64: 1, 1>}, {pipeline_mode = #tpu.pipeline_mode<synchronous>, transform_indices = @transform_14, window_bounds = array<i64: 10000, 128>}, {pipeline_mode = #tpu.pipeline_mode<synchronous>, transform_indices = @transform_15, window_bounds = array<i64: 10000, 1>}]} {
    %scan3A = arith.constant 0 : i32
    %scan3A_0 = arith.constant 1000 : i32
    %scan3A_1 = arith.addi %scan3A, %scan3A_0 : i32
    %scan3A_2 = arith.constant 1 : i32
    scf.for %scan3A_92 = %scan3A to %scan3A_1 step %scan3A_2  : i32 {
      %get3A_93 = arith.index_cast %scan3A_92 : i32 to index
      %get3A_94 = memref.load %arg1[%get3A_93] : memref<1000xi32, #tpu.memory_space<smem>>
      %get3A_95 = arith.index_cast %get3A_94 : i32 to index
      %get3A_96 = arith.constant 0 : index
      %get3A_97 = vector.load %arg2[%get3A_95, %get3A_96] : memref<10000x128xf32, #tpu.memory_space<vmem>>, vector<1x128xf32>
      %swap3A_98 = arith.index_cast %scan3A_92 : i32 to index
      %swap3A_99 = arith.constant 0 : index
      %swap3A_100 = vector.load %arg18[%swap3A_98, %swap3A_99] : memref<1000x128xf32, #tpu.memory_space<vmem>>, vector<1x128xf32>
      tpu.vector_store %arg18[%swap3A_98, %swap3A_99], %get3A_97 {strides = array<i32>} : memref<1000x128xf32, #tpu.memory_space<vmem>>, vector<1x128xf32>,
    }
    %scan3A_3 = arith.constant 1000 : i32
    %get3A = arith.constant 0 : index
    %get3A_4 = arith.constant 0 : index
    %get3A_5 = vector.load %arg18[%get3A, %get3A_4] : memref<1000x128xf32, #tpu.memory_space<vmem>>, vector<1000x128xf32>
    %get3A_6 = arith.constant 0 : index
    %get3A_7 = arith.constant 0 : index
    %get3A_8 = vector.load %arg6[%get3A_6, %get3A_7] : memref<1664x128xf32, #tpu.memory_space<vmem>>, vector<128x128xf32>
    %dot_general3A = arith.constant dense<0.000000e+00> : vector<1000x128xf32>
    %dot_general3A_9 = tpu.matmul %get3A_5, %get3A_8, %dot_general3A {dimension_numbers = #tpu.dot_dimension_numbers<[1], [0], [0], [1], [0, 0, 1, 1], [], []>, transpose_lhs_hint = false} : vector<1000x128xf32>, vector<128x128xf32>, vector<1000x128xf32> -> vector<1000x128xf32>
    %get3A_10 = arith.constant 0 : index
    %get3A_11 = arith.constant 0 : index
    %get3A_12 = vector.load %arg5[%get3A_10, %get3A_11] : memref<1x1536xf32, #tpu.memory_space<vmem>>, vector<1x1536xf32>
    %get3A_13 = arith.constant 128 : index
    %get3A_14 = arith.constant 0 : index
    %get3A_15 = vector.load %arg6[%get3A_13, %get3A_14] : memref<1664x128xf32, #tpu.memory_space<vmem>>, vector<1536x128xf32>
    %dot_general3A_16 = arith.constant dense<0.000000e+00> : vector<1x128xf32>
    %dot_general3A_17 = tpu.matmul %get3A_12, %get3A_15, %dot_general3A_16 {dimension_numbers = #tpu.dot_dimension_numbers<[1], [0], [0], [1], [0, 0, 1, 1], [], []>, transpose_lhs_hint = false} : vector<1x1536xf32>, vector<1536x128xf32>, vector<1x128xf32> -> vector<1x128xf32>
    %add3A = vector.broadcast %dot_general3A_17 : vector<1x128xf32> to vector<1000x128xf32>
    %add3A_18 = arith.addf %dot_general3A_9, %add3A : vector<1000x128xf32>
    %get3A_19 = arith.constant 0 : index
    %get3A_20 = arith.constant 0 : index
    %get3A_21 = vector.load %arg7[%get3A_19, %get3A_20] : memref<1x128xf32, #tpu.memory_space<vmem>>, vector<1x128xf32>
    %add3A_22 = vector.broadcast %get3A_21 : vector<1x128xf32> to vector<1000x128xf32>
    %add3A_23 = arith.addf %add3A_18, %add3A_22 : vector<1000x128xf32>
    %get3A_24 = arith.constant 0 : index
    %get3A_25 = arith.constant 0 : index
    %get3A_26 = vector.load %arg4[%get3A_24, %get3A_25] : memref<1000x1xf32, #tpu.memory_space<vmem>>, vector<1000x1xf32>
    %mul3A = vector.broadcast %get3A_26 : vector<1000x1xf32> to vector<1000x128xf32>
    %mul3A_27 = arith.mulf %mul3A, %add3A_23 : vector<1000x128xf32>
    %add3A_28 = arith.addf %get3A_5, %mul3A_27 : vector<1000x128xf32>
    %swap3A = arith.constant 0 : index
    %swap3A_29 = arith.constant 0 : index
    %swap3A_30 = vector.load %arg18[%swap3A, %swap3A_29] : memref<1000x128xf32, #tpu.memory_space<vmem>>, vector<1000x128xf32>
    tpu.vector_store %arg18[%swap3A, %swap3A_29], %add3A_28 {strides = array<i32>} : memref<1000x128xf32, #tpu.memory_space<vmem>>, vector<1000x128xf32>,
    %get3A_31 = arith.constant 0 : index
    %get3A_32 = arith.constant 0 : index
    %get3A_33 = vector.load %arg2[%get3A_31, %get3A_32] : memref<10000x128xf32, #tpu.memory_space<vmem>>, vector<10000x128xf32>
    %swap3A_34 = arith.constant 0 : index
    %swap3A_35 = arith.constant 0 : index
    %swap3A_36 = vector.load %arg16[%swap3A_34, %swap3A_35] : memref<10000x128xf32, #tpu.memory_space<vmem>>, vector<10000x128xf32>
    tpu.vector_store %arg16[%swap3A_34, %swap3A_35], %get3A_33 {strides = array<i32>} : memref<10000x128xf32, #tpu.memory_space<vmem>>, vector<10000x128xf32>,
    %scan3A_37 = arith.constant 0 : i32
    %scan3A_38 = arith.constant 1000 : i32
    %scan3A_39 = arith.addi %scan3A_37, %scan3A_38 : i32
    %scan3A_40 = arith.constant 1 : i32
    scf.for %scan3A_92 = %scan3A_37 to %scan3A_39 step %scan3A_40  : i32 {
      %get3A_93 = arith.index_cast %scan3A_92 : i32 to index
      %get3A_94 = memref.load %arg1[%get3A_93] : memref<1000xi32, #tpu.memory_space<smem>>
      %get3A_95 = arith.index_cast %scan3A_92 : i32 to index
      %get3A_96 = arith.constant 0 : index
      %get3A_97 = vector.load %arg18[%get3A_95, %get3A_96] : memref<1000x128xf32, #tpu.memory_space<vmem>>, vector<1x128xf32>
      %swap3A_98 = arith.index_cast %get3A_94 : i32 to index
      %swap3A_99 = arith.constant 0 : index
      %swap3A_100 = vector.load %arg16[%swap3A_98, %swap3A_99] : memref<10000x128xf32, #tpu.memory_space<vmem>>, vector<1x128xf32>
      tpu.vector_store %arg16[%swap3A_98, %swap3A_99], %get3A_97 {strides = array<i32>} : memref<10000x128xf32, #tpu.memory_space<vmem>>, vector<1x128xf32>,
    }
    %scan3A_41 = arith.constant 1000 : i32
    %get3A_42 = arith.constant 0 : index
    %get3A_43 = arith.constant 0 : index
    %get3A_44 = vector.load %arg8[%get3A_42, %get3A_43] : memref<1x128xf32, #tpu.memory_space<vmem>>, vector<1x128xf32>
    %get3A_45 = arith.constant 0 : index
    %get3A_46 = arith.constant 0 : index
    %get3A_47 = vector.load %arg16[%get3A_45, %get3A_46] : memref<10000x128xf32, #tpu.memory_space<vmem>>, vector<10000x128xf32>
    %get3A_48 = arith.constant 0 : index
    %get3A_49 = arith.constant 0 : index
    %get3A_50 = vector.load %arg9[%get3A_48, %get3A_49] : memref<128x128xf32, #tpu.memory_space<vmem>>, vector<128x128xf32>
    %dot_general3A_51 = arith.constant dense<0.000000e+00> : vector<10000x128xf32>
    %dot_general3A_52 = tpu.matmul %get3A_47, %get3A_50, %dot_general3A_51 {dimension_numbers = #tpu.dot_dimension_numbers<[1], [0], [0], [1], [0, 0, 1, 1], [], []>, transpose_lhs_hint = false} : vector<10000x128xf32>, vector<128x128xf32>, vector<10000x128xf32> -> vector<10000x128xf32>
    %get3A_53 = arith.constant 0 : index
    %get3A_54 = arith.constant 0 : index
    %get3A_55 = vector.load %arg10[%get3A_53, %get3A_54] : memref<128x128xf32, #tpu.memory_space<vmem>>, vector<128x128xf32>
    %dot_general3A_56 = arith.constant dense<0.000000e+00> : vector<1x128xf32>
    %dot_general3A_57 = tpu.matmul %get3A_44, %get3A_55, %dot_general3A_56 {dimension_numbers = #tpu.dot_dimension_numbers<[1], [0], [0], [1], [0, 0, 1, 1], [], []>, transpose_lhs_hint = false} : vector<1x128xf32>, vector<128x128xf32>, vector<1x128xf32> -> vector<1x128xf32>
    %add3A_58 = vector.broadcast %dot_general3A_57 : vector<1x128xf32> to vector<10000x128xf32>
    %add3A_59 = arith.addf %dot_general3A_52, %add3A_58 : vector<10000x128xf32>
    %get3A_60 = arith.constant 0 : index
    %get3A_61 = arith.constant 0 : index
    %get3A_62 = vector.load %arg11[%get3A_60, %get3A_61] : memref<1x128xf32, #tpu.memory_space<vmem>>, vector<1x128xf32>
    %add3A_63 = vector.broadcast %get3A_62 : vector<1x128xf32> to vector<10000x128xf32>
    %add3A_64 = arith.addf %add3A_59, %add3A_63 : vector<10000x128xf32>
    %mul3A_65 = arith.mulf %add3A_64, %get3A_47 : vector<10000x128xf32>
    %get3A_66 = arith.constant 0 : index
    %get3A_67 = arith.constant 0 : index
    %get3A_68 = vector.load %arg12[%get3A_66, %get3A_67] : memref<128x128xf32, #tpu.memory_space<vmem>>, vector<128x128xf32>
    %dot_general3A_69 = arith.constant dense<0.000000e+00> : vector<10000x128xf32>
    %dot_general3A_70 = tpu.matmul %mul3A_65, %get3A_68, %dot_general3A_69 {dimension_numbers = #tpu.dot_dimension_numbers<[1], [0], [0], [1], [0, 0, 1, 1], [], []>, transpose_lhs_hint = false} : vector<10000x128xf32>, vector<128x128xf32>, vector<10000x128xf32> -> vector<10000x128xf32>
    %get3A_71 = arith.constant 0 : index
    %get3A_72 = arith.constant 0 : index
    %get3A_73 = vector.load %arg13[%get3A_71, %get3A_72] : memref<1x128xf32, #tpu.memory_space<vmem>>, vector<1x128xf32>
    %add3A_74 = vector.broadcast %get3A_73 : vector<1x128xf32> to vector<10000x128xf32>
    %add3A_75 = arith.addf %dot_general3A_70, %add3A_74 : vector<10000x128xf32>
    %max3A = arith.constant 0.000000e+00 : f32
    %max3A_76 = vector.broadcast %max3A : f32 to vector<10000x128xf32>
    %max3A_77 = arith.maximumf %add3A_75, %max3A_76 : vector<10000x128xf32>
    %get3A_78 = arith.constant 0 : index
    %get3A_79 = arith.constant 0 : index
    %get3A_80 = vector.load %arg14[%get3A_78, %get3A_79] : memref<1x128xf32, #tpu.memory_space<vmem>>, vector<1x128xf32>
    %mul3A_81 = vector.broadcast %get3A_80 : vector<1x128xf32> to vector<10000x128xf32>
    %mul3A_82 = arith.mulf %max3A_77, %mul3A_81 : vector<10000x128xf32>
    %reduce_sum3A = arith.constant dense<0.000000e+00> : vector<10000xf32>
    %reduce_sum3A_83 = vector.multi_reduction <add>, %mul3A_82, %reduce_sum3A [1] : vector<10000x128xf32> to vector<10000xf32>
    %broadcast_in_dim3A = vector.shape_cast %reduce_sum3A_83 : vector<10000xf32> to vector<10000x1xf32>
    %get3A_84 = arith.constant 0 : index
    %get3A_85 = arith.constant 0 : index
    %get3A_86 = vector.load %arg15[%get3A_84, %get3A_85] : memref<1x1xf32, #tpu.memory_space<vmem>>, vector<1x1xf32>
    %add3A_87 = vector.broadcast %get3A_86 : vector<1x1xf32> to vector<10000x1xf32>
    %add3A_88 = arith.addf %broadcast_in_dim3A, %add3A_87 : vector<10000x1xf32>
    %swap3A_89 = arith.constant 0 : index
    %swap3A_90 = arith.constant 0 : index
    %swap3A_91 = vector.load %arg17[%swap3A_89, %swap3A_90] : memref<10000x1xf32, #tpu.memory_space<vmem>>, vector<10000x1xf32>
    tpu.vector_store %arg17[%swap3A_89, %swap3A_90], %add3A_88 {strides = array<i32>} : memref<10000x1xf32, #tpu.memory_space<vmem>>, vector<10000x1xf32>,
    return
  }
  func.func @transform_0(%arg0: i32, %arg1: memref<1000xi32, #tpu.memory_space<smem>>) -> (i32, i32) {
    %c0_i32 = arith.constant 0 : i32
    %c0_i32_0 = arith.constant 0 : i32
    %c0_i32_1 = arith.constant 0 : i32
    return %c0_i32, %c0_i32_0 : i32, i32
  }
  func.func @transform_1(%arg0: i32, %arg1: memref<1000xi32, #tpu.memory_space<smem>>) -> (i32, i32) {
    %c0_i32 = arith.constant 0 : i32
    %c0_i32_0 = arith.constant 0 : i32
    %c0_i32_1 = arith.constant 0 : i32
    return %c0_i32, %c0_i32_0 : i32, i32
  }
  func.func @transform_2(%arg0: i32, %arg1: memref<1000xi32, #tpu.memory_space<smem>>) -> (i32, i32) {
    %c0_i32 = arith.constant 0 : i32
    %c0_i32_0 = arith.constant 0 : i32
    %c0_i32_1 = arith.constant 0 : i32
    return %c0_i32, %c0_i32_0 : i32, i32
  }
  func.func @transform_3(%arg0: i32, %arg1: memref<1000xi32, #tpu.memory_space<smem>>) -> (i32, i32) {
    %c0_i32 = arith.constant 0 : i32
    %c0_i32_0 = arith.constant 0 : i32
    %c0_i32_1 = arith.constant 0 : i32
    return %c0_i32, %c0_i32_0 : i32, i32
  }
  func.func @transform_4(%arg0: i32, %arg1: memref<1000xi32, #tpu.memory_space<smem>>) -> (i32, i32) {
    %c0_i32 = arith.constant 0 : i32
    %c0_i32_0 = arith.constant 0 : i32
    %c0_i32_1 = arith.constant 0 : i32
    return %c0_i32, %c0_i32_0 : i32, i32
  }
  func.func @transform_5(%arg0: i32, %arg1: memref<1000xi32, #tpu.memory_space<smem>>) -> (i32, i32) {
    %c0_i32 = arith.constant 0 : i32
    %c0_i32_0 = arith.constant 0 : i32
    %c0_i32_1 = arith.constant 0 : i32
    return %c0_i32, %c0_i32_0 : i32, i32
  }
  func.func @transform_6(%arg0: i32, %arg1: memref<1000xi32, #tpu.memory_space<smem>>) -> (i32, i32) {
    %c0_i32 = arith.constant 0 : i32
    %c0_i32_0 = arith.constant 0 : i32
    %c0_i32_1 = arith.constant 0 : i32
    return %c0_i32, %c0_i32_0 : i32, i32
  }
  func.func @transform_7(%arg0: i32, %arg1: memref<1000xi32, #tpu.memory_space<smem>>) -> (i32, i32) {
    %c0_i32 = arith.constant 0 : i32
    %c0_i32_0 = arith.constant 0 : i32
    %c0_i32_1 = arith.constant 0 : i32
    return %c0_i32, %c0_i32_0 : i32, i32
  }
  func.func @transform_8(%arg0: i32, %arg1: memref<1000xi32, #tpu.memory_space<smem>>) -> (i32, i32) {
    %c0_i32 = arith.constant 0 : i32
    %c0_i32_0 = arith.constant 0 : i32
    %c0_i32_1 = arith.constant 0 : i32
    return %c0_i32, %c0_i32_0 : i32, i32
  }
  func.func @transform_9(%arg0: i32, %arg1: memref<1000xi32, #tpu.memory_space<smem>>) -> (i32, i32) {
    %c0_i32 = arith.constant 0 : i32
    %c0_i32_0 = arith.constant 0 : i32
    %c0_i32_1 = arith.constant 0 : i32
    return %c0_i32, %c0_i32_0 : i32, i32
  }
  func.func @transform_10(%arg0: i32, %arg1: memref<1000xi32, #tpu.memory_space<smem>>) -> (i32, i32) {
    %c0_i32 = arith.constant 0 : i32
    %c0_i32_0 = arith.constant 0 : i32
    %c0_i32_1 = arith.constant 0 : i32
    return %c0_i32, %c0_i32_0 : i32, i32
  }
  func.func @transform_11(%arg0: i32, %arg1: memref<1000xi32, #tpu.memory_space<smem>>) -> (i32, i32) {
    %c0_i32 = arith.constant 0 : i32
    %c0_i32_0 = arith.constant 0 : i32
    %c0_i32_1 = arith.constant 0 : i32
    return %c0_i32, %c0_i32_0 : i32, i32
  }
  func.func @transform_12(%arg0: i32, %arg1: memref<1000xi32, #tpu.memory_space<smem>>) -> (i32, i32) {
    %c0_i32 = arith.constant 0 : i32
    %c0_i32_0 = arith.constant 0 : i32
    %c0_i32_1 = arith.constant 0 : i32
    return %c0_i32, %c0_i32_0 : i32, i32
  }
  func.func @transform_13(%arg0: i32, %arg1: memref<1000xi32, #tpu.memory_space<smem>>) -> (i32, i32) {
    %c0_i32 = arith.constant 0 : i32
    %c0_i32_0 = arith.constant 0 : i32
    %c0_i32_1 = arith.constant 0 : i32
    return %c0_i32, %c0_i32_0 : i32, i32
  }
  func.func @transform_14(%arg0: i32, %arg1: memref<1000xi32, #tpu.memory_space<smem>>) -> (i32, i32) {
    %c0_i32 = arith.constant 0 : i32
    %c0_i32_0 = arith.constant 0 : i32
    %c0_i32_1 = arith.constant 0 : i32
    return %c0_i32, %c0_i32_0 : i32, i32
  }
  func.func @transform_15(%arg0: i32, %arg1: memref<1000xi32, #tpu.memory_space<smem>>) -> (i32, i32) {
    %c0_i32 = arith.constant 0 : i32
    %c0_i32_0 = arith.constant 0 : i32
    %c0_i32_1 = arith.constant 0 : i32
    return %c0_i32, %c0_i32_0 : i32, i32
  }
}

module attributes {stable_mosaic.version = 14 : i64} {
  func.func @_layer_body(%arg0: i32, %arg1: memref<1000xi32, #tpu.memory_space<smem>>, %arg2: memref<10000x128xf32, #tpu.memory_space<vmem>>, %arg3: memref<10000x1xf32, #tpu.memory_space<vmem>>, %arg4: memref<1000x1xf32, #tpu.memory_space<vmem>>, %arg5: memref<1x1536xf32, #tpu.memory_space<vmem>>, %arg6: memref<1664x128xf32, #tpu.memory_space<vmem>>, %arg7: memref<1x128xf32, #tpu.memory_space<vmem>>, %arg8: memref<1x128xf32, #tpu.memory_space<vmem>>, %arg9: memref<128x128xf32, #tpu.memory_space<vmem>>, %arg10: memref<128x128xf32, #tpu.memory_space<vmem>>, %arg11: memref<1x128xf32, #tpu.memory_space<vmem>>, %arg12: memref<128x128xf32, #tpu.memory_space<vmem>>, %arg13: memref<1x128xf32, #tpu.memory_space<vmem>>, %arg14: memref<1x128xf32, #tpu.memory_space<vmem>>, %arg15: memref<1x1xf32, #tpu.memory_space<vmem>>, %arg16: memref<10000x128xf32, #tpu.memory_space<vmem>>, %arg17: memref<10000x1xf32, #tpu.memory_space<vmem>>, %arg18: memref<1000x128xf32, #tpu.memory_space<vmem>>) attributes {dimension_semantics = [#tpu.dimension_semantics<arbitrary>], iteration_bounds = array<i64: 1>, scalar_prefetch = 1 : i64, scratch_operands = 1 : i64, tpu.core_type = #tpu.core_type<tc>, window_params = [{pipeline_mode = #tpu.pipeline_mode<synchronous>, transform_indices = @transform_0, window_bounds = array<i64: 10000, 128>}, {pipeline_mode = #tpu.pipeline_mode<synchronous>, transform_indices = @transform_1, window_bounds = array<i64: 10000, 1>}, {pipeline_mode = #tpu.pipeline_mode<synchronous>, transform_indices = @transform_2, window_bounds = array<i64: 1000, 1>}, {pipeline_mode = #tpu.pipeline_mode<synchronous>, transform_indices = @transform_3, window_bounds = array<i64: 1, 1536>}, {pipeline_mode = #tpu.pipeline_mode<synchronous>, transform_indices = @transform_4, window_bounds = array<i64: 1664, 128>}, {pipeline_mode = #tpu.pipeline_mode<synchronous>, transform_indices = @transform_5, window_bounds = array<i64: 1, 128>}, {pipeline_mode = #tpu.pipeline_mode<synchronous>, transform_indices = @transform_6, window_bounds = array<i64: 1, 128>}, {pipeline_mode = #tpu.pipeline_mode<synchronous>, transform_indices = @transform_7, window_bounds = array<i64: 128, 128>}, {pipeline_mode = #tpu.pipeline_mode<synchronous>, transform_indices = @transform_8, window_bounds = array<i64: 128, 128>}, {pipeline_mode = #tpu.pipeline_mode<synchronous>, transform_indices = @transform_9, window_bounds = array<i64: 1, 128>}, {pipeline_mode = #tpu.pipeline_mode<synchronous>, transform_indices = @transform_10, window_bounds = array<i64: 128, 128>}, {pipeline_mode = #tpu.pipeline_mode<synchronous>, transform_indices = @transform_11, window_bounds = array<i64: 1, 128>}, {pipeline_mode = #tpu.pipeline_mode<synchronous>, transform_indices = @transform_12, window_bounds = array<i64: 1, 128>}, {pipeline_mode = #tpu.pipeline_mode<synchronous>, transform_indices = @transform_13, window_bounds = array<i64: 1, 1>}, {pipeline_mode = #tpu.pipeline_mode<synchronous>, transform_indices = @transform_14, window_bounds = array<i64: 10000, 128>}, {pipeline_mode = #tpu.pipeline_mode<synchronous>, transform_indices = @transform_15, window_bounds = array<i64: 10000, 1>}]} {
    %scan3A = arith.constant 0 : i32
    %scan3A_0 = arith.constant 1000 : i32
    %scan3A_1 = arith.addi %scan3A, %scan3A_0 : i32
    %scan3A_2 = arith.constant 1 : i32
    scf.for %scan3A_100 = %scan3A to %scan3A_1 step %scan3A_2  : i32 {
      %get3A_101 = arith.index_cast %scan3A_100 : i32 to index
      %get3A_102 = memref.load %arg1[%get3A_101] : memref<1000xi32, #tpu.memory_space<smem>>
      %get3A_103 = arith.index_cast %get3A_102 : i32 to index
      %get3A_104 = arith.constant 0 : index
      %get3A_105 = vector.load %arg2[%get3A_103, %get3A_104] : memref<10000x128xf32, #tpu.memory_space<vmem>>, vector<1x128xf32>
      %swap3A_106 = arith.index_cast %scan3A_100 : i32 to index
      %swap3A_107 = arith.constant 0 : index
      %swap3A_108 = vector.load %arg18[%swap3A_106, %swap3A_107] : memref<1000x128xf32, #tpu.memory_space<vmem>>, vector<1x128xf32>
      tpu.vector_store %arg18[%swap3A_106, %swap3A_107], %get3A_105 {strides = array<i32>} : memref<1000x128xf32, #tpu.memory_space<vmem>>, vector<1x128xf32>,
    }
    %scan3A_3 = arith.constant 1000 : i32
    %get3A = arith.constant 0 : index
    %get3A_4 = arith.constant 0 : index
    %get3A_5 = vector.load %arg18[%get3A, %get3A_4] : memref<1000x128xf32, #tpu.memory_space<vmem>>, vector<1000x128xf32>
    %get3A_6 = arith.constant 0 : index
    %get3A_7 = arith.constant 0 : index
    %get3A_8 = vector.load %arg6[%get3A_6, %get3A_7] : memref<1664x128xf32, #tpu.memory_space<vmem>>, vector<128x128xf32>
    %dot_general3A = arith.constant dense<0.000000e+00> : vector<1000x128xf32>
    %dot_general3A_9 = tpu.matmul %get3A_5, %get3A_8, %dot_general3A {dimension_numbers = #tpu.dot_dimension_numbers<[1], [0], [0], [1], [0, 0, 1, 1], [], []>, transpose_lhs_hint = false} : vector<1000x128xf32>, vector<128x128xf32>, vector<1000x128xf32> -> vector<1000x128xf32>
    %get3A_10 = arith.constant 0 : index
    %get3A_11 = arith.constant 0 : index
    %get3A_12 = vector.load %arg5[%get3A_10, %get3A_11] : memref<1x1536xf32, #tpu.memory_space<vmem>>, vector<1x1536xf32>
    %get3A_13 = arith.constant 128 : index
    %get3A_14 = arith.constant 0 : index
    %get3A_15 = vector.load %arg6[%get3A_13, %get3A_14] : memref<1664x128xf32, #tpu.memory_space<vmem>>, vector<1536x128xf32>
    %dot_general3A_16 = arith.constant dense<0.000000e+00> : vector<1x128xf32>
    %dot_general3A_17 = tpu.matmul %get3A_12, %get3A_15, %dot_general3A_16 {dimension_numbers = #tpu.dot_dimension_numbers<[1], [0], [0], [1], [0, 0, 1, 1], [], []>, transpose_lhs_hint = false} : vector<1x1536xf32>, vector<1536x128xf32>, vector<1x128xf32> -> vector<1x128xf32>
    %add3A = vector.broadcast %dot_general3A_17 : vector<1x128xf32> to vector<1000x128xf32>
    %add3A_18 = arith.addf %dot_general3A_9, %add3A : vector<1000x128xf32>
    %get3A_19 = arith.constant 0 : index
    %get3A_20 = arith.constant 0 : index
    %get3A_21 = vector.load %arg7[%get3A_19, %get3A_20] : memref<1x128xf32, #tpu.memory_space<vmem>>, vector<1x128xf32>
    %add3A_22 = vector.broadcast %get3A_21 : vector<1x128xf32> to vector<1000x128xf32>
    %add3A_23 = arith.addf %add3A_18, %add3A_22 : vector<1000x128xf32>
    %get3A_24 = arith.constant 0 : index
    %get3A_25 = arith.constant 0 : index
    %get3A_26 = vector.load %arg4[%get3A_24, %get3A_25] : memref<1000x1xf32, #tpu.memory_space<vmem>>, vector<1000x1xf32>
    %mul3A = vector.broadcast %get3A_26 : vector<1000x1xf32> to vector<1000x128xf32>
    %mul3A_27 = arith.mulf %mul3A, %add3A_23 : vector<1000x128xf32>
    %add3A_28 = arith.addf %get3A_5, %mul3A_27 : vector<1000x128xf32>
    %swap3A = arith.constant 0 : index
    %swap3A_29 = arith.constant 0 : index
    %swap3A_30 = vector.load %arg18[%swap3A, %swap3A_29] : memref<1000x128xf32, #tpu.memory_space<vmem>>, vector<1000x128xf32>
    tpu.vector_store %arg18[%swap3A, %swap3A_29], %add3A_28 {strides = array<i32>} : memref<1000x128xf32, #tpu.memory_space<vmem>>, vector<1000x128xf32>,
    %get3A_31 = arith.constant 0 : index
    %get3A_32 = arith.constant 0 : index
    %get3A_33 = vector.load %arg2[%get3A_31, %get3A_32] : memref<10000x128xf32, #tpu.memory_space<vmem>>, vector<10000x128xf32>
    %swap3A_34 = arith.constant 0 : index
    %swap3A_35 = arith.constant 0 : index
    %swap3A_36 = vector.load %arg16[%swap3A_34, %swap3A_35] : memref<10000x128xf32, #tpu.memory_space<vmem>>, vector<10000x128xf32>
    tpu.vector_store %arg16[%swap3A_34, %swap3A_35], %get3A_33 {strides = array<i32>} : memref<10000x128xf32, #tpu.memory_space<vmem>>, vector<10000x128xf32>,
    %scan3A_37 = arith.constant 0 : i32
    %scan3A_38 = arith.constant 1000 : i32
    %scan3A_39 = arith.addi %scan3A_37, %scan3A_38 : i32
    %scan3A_40 = arith.constant 1 : i32
    scf.for %scan3A_100 = %scan3A_37 to %scan3A_39 step %scan3A_40  : i32 {
      %get3A_101 = arith.index_cast %scan3A_100 : i32 to index
      %get3A_102 = memref.load %arg1[%get3A_101] : memref<1000xi32, #tpu.memory_space<smem>>
      %get3A_103 = arith.index_cast %scan3A_100 : i32 to index
      %get3A_104 = arith.constant 0 : index
      %get3A_105 = vector.load %arg18[%get3A_103, %get3A_104] : memref<1000x128xf32, #tpu.memory_space<vmem>>, vector<1x128xf32>
      %swap3A_106 = arith.index_cast %get3A_102 : i32 to index
      %swap3A_107 = arith.constant 0 : index
      %swap3A_108 = vector.load %arg16[%swap3A_106, %swap3A_107] : memref<10000x128xf32, #tpu.memory_space<vmem>>, vector<1x128xf32>
      tpu.vector_store %arg16[%swap3A_106, %swap3A_107], %get3A_105 {strides = array<i32>} : memref<10000x128xf32, #tpu.memory_space<vmem>>, vector<1x128xf32>,
    }
    %scan3A_41 = arith.constant 1000 : i32
    %get3A_42 = arith.constant 0 : index
    %get3A_43 = arith.constant 0 : index
    %get3A_44 = vector.load %arg8[%get3A_42, %get3A_43] : memref<1x128xf32, #tpu.memory_space<vmem>>, vector<1x128xf32>
    %get3A_45 = arith.constant 0 : index
    %get3A_46 = arith.constant 0 : index
    %get3A_47 = vector.load %arg3[%get3A_45, %get3A_46] : memref<10000x1xf32, #tpu.memory_space<vmem>>, vector<10000x1xf32>
    %swap3A_48 = arith.constant 0 : index
    %swap3A_49 = arith.constant 0 : index
    %swap3A_50 = vector.load %arg17[%swap3A_48, %swap3A_49] : memref<10000x1xf32, #tpu.memory_space<vmem>>, vector<10000x1xf32>
    tpu.vector_store %arg17[%swap3A_48, %swap3A_49], %get3A_47 {strides = array<i32>} : memref<10000x1xf32, #tpu.memory_space<vmem>>, vector<10000x1xf32>,
    %get3A_51 = arith.constant 0 : index
    %get3A_52 = arith.constant 0 : index
    %get3A_53 = vector.load %arg9[%get3A_51, %get3A_52] : memref<128x128xf32, #tpu.memory_space<vmem>>, vector<128x128xf32>
    %dot_general3A_54 = arith.constant dense<0.000000e+00> : vector<1000x128xf32>
    %dot_general3A_55 = tpu.matmul %add3A_28, %get3A_53, %dot_general3A_54 {dimension_numbers = #tpu.dot_dimension_numbers<[1], [0], [0], [1], [0, 0, 1, 1], [], []>, transpose_lhs_hint = false} : vector<1000x128xf32>, vector<128x128xf32>, vector<1000x128xf32> -> vector<1000x128xf32>
    %get3A_56 = arith.constant 0 : index
    %get3A_57 = arith.constant 0 : index
    %get3A_58 = vector.load %arg10[%get3A_56, %get3A_57] : memref<128x128xf32, #tpu.memory_space<vmem>>, vector<128x128xf32>
    %dot_general3A_59 = arith.constant dense<0.000000e+00> : vector<1x128xf32>
    %dot_general3A_60 = tpu.matmul %get3A_44, %get3A_58, %dot_general3A_59 {dimension_numbers = #tpu.dot_dimension_numbers<[1], [0], [0], [1], [0, 0, 1, 1], [], []>, transpose_lhs_hint = false} : vector<1x128xf32>, vector<128x128xf32>, vector<1x128xf32> -> vector<1x128xf32>
    %add3A_61 = vector.broadcast %dot_general3A_60 : vector<1x128xf32> to vector<1000x128xf32>
    %add3A_62 = arith.addf %dot_general3A_55, %add3A_61 : vector<1000x128xf32>
    %get3A_63 = arith.constant 0 : index
    %get3A_64 = arith.constant 0 : index
    %get3A_65 = vector.load %arg11[%get3A_63, %get3A_64] : memref<1x128xf32, #tpu.memory_space<vmem>>, vector<1x128xf32>
    %add3A_66 = vector.broadcast %get3A_65 : vector<1x128xf32> to vector<1000x128xf32>
    %add3A_67 = arith.addf %add3A_62, %add3A_66 : vector<1000x128xf32>
    %mul3A_68 = arith.mulf %add3A_67, %add3A_28 : vector<1000x128xf32>
    %get3A_69 = arith.constant 0 : index
    %get3A_70 = arith.constant 0 : index
    %get3A_71 = vector.load %arg12[%get3A_69, %get3A_70] : memref<128x128xf32, #tpu.memory_space<vmem>>, vector<128x128xf32>
    %dot_general3A_72 = arith.constant dense<0.000000e+00> : vector<1000x128xf32>
    %dot_general3A_73 = tpu.matmul %mul3A_68, %get3A_71, %dot_general3A_72 {dimension_numbers = #tpu.dot_dimension_numbers<[1], [0], [0], [1], [0, 0, 1, 1], [], []>, transpose_lhs_hint = false} : vector<1000x128xf32>, vector<128x128xf32>, vector<1000x128xf32> -> vector<1000x128xf32>
    %get3A_74 = arith.constant 0 : index
    %get3A_75 = arith.constant 0 : index
    %get3A_76 = vector.load %arg13[%get3A_74, %get3A_75] : memref<1x128xf32, #tpu.memory_space<vmem>>, vector<1x128xf32>
    %add3A_77 = vector.broadcast %get3A_76 : vector<1x128xf32> to vector<1000x128xf32>
    %add3A_78 = arith.addf %dot_general3A_73, %add3A_77 : vector<1000x128xf32>
    %max3A = arith.constant 0.000000e+00 : f32
    %max3A_79 = vector.broadcast %max3A : f32 to vector<1000x128xf32>
    %max3A_80 = arith.maximumf %add3A_78, %max3A_79 : vector<1000x128xf32>
    %get3A_81 = arith.constant 0 : index
    %get3A_82 = arith.constant 0 : index
    %get3A_83 = vector.load %arg14[%get3A_81, %get3A_82] : memref<1x128xf32, #tpu.memory_space<vmem>>, vector<1x128xf32>
    %mul3A_84 = vector.broadcast %get3A_83 : vector<1x128xf32> to vector<1000x128xf32>
    %mul3A_85 = arith.mulf %max3A_80, %mul3A_84 : vector<1000x128xf32>
    %reduce_sum3A = arith.constant dense<0.000000e+00> : vector<1000xf32>
    %reduce_sum3A_86 = vector.multi_reduction <add>, %mul3A_85, %reduce_sum3A [1] : vector<1000x128xf32> to vector<1000xf32>
    %broadcast_in_dim3A = vector.shape_cast %reduce_sum3A_86 : vector<1000xf32> to vector<1000x1xf32>
    %get3A_87 = arith.constant 0 : index
    %get3A_88 = arith.constant 0 : index
    %get3A_89 = vector.load %arg15[%get3A_87, %get3A_88] : memref<1x1xf32, #tpu.memory_space<vmem>>, vector<1x1xf32>
    %add3A_90 = vector.broadcast %get3A_89 : vector<1x1xf32> to vector<1000x1xf32>
    %add3A_91 = arith.addf %broadcast_in_dim3A, %add3A_90 : vector<1000x1xf32>
    %swap3A_92 = arith.constant 0 : index
    %swap3A_93 = arith.constant 0 : index
    %swap3A_94 = vector.load %arg18[%swap3A_92, %swap3A_93] : memref<1000x128xf32, #tpu.memory_space<vmem>>, vector<1000x1xf32>
    tpu.vector_store %arg18[%swap3A_92, %swap3A_93], %add3A_91 {strides = array<i32>} : memref<1000x128xf32, #tpu.memory_space<vmem>>, vector<1000x1xf32>,
    %scan3A_95 = arith.constant 0 : i32
    %scan3A_96 = arith.constant 1000 : i32
    %scan3A_97 = arith.addi %scan3A_95, %scan3A_96 : i32
    %scan3A_98 = arith.constant 1 : i32
    scf.for %scan3A_100 = %scan3A_95 to %scan3A_97 step %scan3A_98  : i32 {
      %get3A_101 = arith.index_cast %scan3A_100 : i32 to index
      %get3A_102 = memref.load %arg1[%get3A_101] : memref<1000xi32, #tpu.memory_space<smem>>
      %get3A_103 = arith.index_cast %scan3A_100 : i32 to index
      %get3A_104 = arith.constant 0 : index
      %get3A_105 = vector.load %arg18[%get3A_103, %get3A_104] : memref<1000x128xf32, #tpu.memory_space<vmem>>, vector<1x1xf32>
      %swap3A_106 = arith.index_cast %get3A_102 : i32 to index
      %swap3A_107 = arith.constant 0 : index
      %swap3A_108 = vector.load %arg17[%swap3A_106, %swap3A_107] : memref<10000x1xf32, #tpu.memory_space<vmem>>, vector<1x1xf32>
      tpu.vector_store %arg17[%swap3A_106, %swap3A_107], %get3A_105 {strides = array<i32>} : memref<10000x1xf32, #tpu.memory_space<vmem>>, vector<1x1xf32>,
    }
    %scan3A_99 = arith.constant 1000 : i32
    return
  }
  func.func @transform_0(%arg0: i32, %arg1: memref<1000xi32, #tpu.memory_space<smem>>) -> (i32, i32) {
    %c0_i32 = arith.constant 0 : i32
    %c0_i32_0 = arith.constant 0 : i32
    %c0_i32_1 = arith.constant 0 : i32
    return %c0_i32, %c0_i32_0 : i32, i32
  }
  func.func @transform_1(%arg0: i32, %arg1: memref<1000xi32, #tpu.memory_space<smem>>) -> (i32, i32) {
    %c0_i32 = arith.constant 0 : i32
    %c0_i32_0 = arith.constant 0 : i32
    %c0_i32_1 = arith.constant 0 : i32
    return %c0_i32, %c0_i32_0 : i32, i32
  }
  func.func @transform_2(%arg0: i32, %arg1: memref<1000xi32, #tpu.memory_space<smem>>) -> (i32, i32) {
    %c0_i32 = arith.constant 0 : i32
    %c0_i32_0 = arith.constant 0 : i32
    %c0_i32_1 = arith.constant 0 : i32
    return %c0_i32, %c0_i32_0 : i32, i32
  }
  func.func @transform_3(%arg0: i32, %arg1: memref<1000xi32, #tpu.memory_space<smem>>) -> (i32, i32) {
    %c0_i32 = arith.constant 0 : i32
    %c0_i32_0 = arith.constant 0 : i32
    %c0_i32_1 = arith.constant 0 : i32
    return %c0_i32, %c0_i32_0 : i32, i32
  }
  func.func @transform_4(%arg0: i32, %arg1: memref<1000xi32, #tpu.memory_space<smem>>) -> (i32, i32) {
    %c0_i32 = arith.constant 0 : i32
    %c0_i32_0 = arith.constant 0 : i32
    %c0_i32_1 = arith.constant 0 : i32
    return %c0_i32, %c0_i32_0 : i32, i32
  }
  func.func @transform_5(%arg0: i32, %arg1: memref<1000xi32, #tpu.memory_space<smem>>) -> (i32, i32) {
    %c0_i32 = arith.constant 0 : i32
    %c0_i32_0 = arith.constant 0 : i32
    %c0_i32_1 = arith.constant 0 : i32
    return %c0_i32, %c0_i32_0 : i32, i32
  }
  func.func @transform_6(%arg0: i32, %arg1: memref<1000xi32, #tpu.memory_space<smem>>) -> (i32, i32) {
    %c0_i32 = arith.constant 0 : i32
    %c0_i32_0 = arith.constant 0 : i32
    %c0_i32_1 = arith.constant 0 : i32
    return %c0_i32, %c0_i32_0 : i32, i32
  }
  func.func @transform_7(%arg0: i32, %arg1: memref<1000xi32, #tpu.memory_space<smem>>) -> (i32, i32) {
    %c0_i32 = arith.constant 0 : i32
    %c0_i32_0 = arith.constant 0 : i32
    %c0_i32_1 = arith.constant 0 : i32
    return %c0_i32, %c0_i32_0 : i32, i32
  }
  func.func @transform_8(%arg0: i32, %arg1: memref<1000xi32, #tpu.memory_space<smem>>) -> (i32, i32) {
    %c0_i32 = arith.constant 0 : i32
    %c0_i32_0 = arith.constant 0 : i32
    %c0_i32_1 = arith.constant 0 : i32
    return %c0_i32, %c0_i32_0 : i32, i32
  }
  func.func @transform_9(%arg0: i32, %arg1: memref<1000xi32, #tpu.memory_space<smem>>) -> (i32, i32) {
    %c0_i32 = arith.constant 0 : i32
    %c0_i32_0 = arith.constant 0 : i32
    %c0_i32_1 = arith.constant 0 : i32
    return %c0_i32, %c0_i32_0 : i32, i32
  }
  func.func @transform_10(%arg0: i32, %arg1: memref<1000xi32, #tpu.memory_space<smem>>) -> (i32, i32) {
    %c0_i32 = arith.constant 0 : i32
    %c0_i32_0 = arith.constant 0 : i32
    %c0_i32_1 = arith.constant 0 : i32
    return %c0_i32, %c0_i32_0 : i32, i32
  }
  func.func @transform_11(%arg0: i32, %arg1: memref<1000xi32, #tpu.memory_space<smem>>) -> (i32, i32) {
    %c0_i32 = arith.constant 0 : i32
    %c0_i32_0 = arith.constant 0 : i32
    %c0_i32_1 = arith.constant 0 : i32
    return %c0_i32, %c0_i32_0 : i32, i32
  }
  func.func @transform_12(%arg0: i32, %arg1: memref<1000xi32, #tpu.memory_space<smem>>) -> (i32, i32) {
    %c0_i32 = arith.constant 0 : i32
    %c0_i32_0 = arith.constant 0 : i32
    %c0_i32_1 = arith.constant 0 : i32
    return %c0_i32, %c0_i32_0 : i32, i32
  }
  func.func @transform_13(%arg0: i32, %arg1: memref<1000xi32, #tpu.memory_space<smem>>) -> (i32, i32) {
    %c0_i32 = arith.constant 0 : i32
    %c0_i32_0 = arith.constant 0 : i32
    %c0_i32_1 = arith.constant 0 : i32
    return %c0_i32, %c0_i32_0 : i32, i32
  }
  func.func @transform_14(%arg0: i32, %arg1: memref<1000xi32, #tpu.memory_space<smem>>) -> (i32, i32) {
    %c0_i32 = arith.constant 0 : i32
    %c0_i32_0 = arith.constant 0 : i32
    %c0_i32_1 = arith.constant 0 : i32
    return %c0_i32, %c0_i32_0 : i32, i32
  }
  func.func @transform_15(%arg0: i32, %arg1: memref<1000xi32, #tpu.memory_space<smem>>) -> (i32, i32) {
    %c0_i32 = arith.constant 0 : i32
    %c0_i32_0 = arith.constant 0 : i32
    %c0_i32_1 = arith.constant 0 : i32
    return %c0_i32, %c0_i32_0 : i32, i32
  }
}

module attributes {stable_mosaic.version = 14 : i64} {
  func.func @_layer_body(%arg0: i32, %arg1: memref<1000xi32, #tpu.memory_space<smem>>, %arg2: memref<10000x128xf32, #tpu.memory_space<vmem>>, %arg3: memref<10000x1xf32, #tpu.memory_space<vmem>>, %arg4: memref<1000x1xf32, #tpu.memory_space<vmem>>, %arg5: memref<1x1536xf32, #tpu.memory_space<vmem>>, %arg6: memref<1664x128xf32, #tpu.memory_space<vmem>>, %arg7: memref<1x128xf32, #tpu.memory_space<vmem>>, %arg8: memref<1x128xf32, #tpu.memory_space<vmem>>, %arg9: memref<128x128xf32, #tpu.memory_space<vmem>>, %arg10: memref<128x128xf32, #tpu.memory_space<vmem>>, %arg11: memref<1x128xf32, #tpu.memory_space<vmem>>, %arg12: memref<128x128xf32, #tpu.memory_space<vmem>>, %arg13: memref<1x128xf32, #tpu.memory_space<vmem>>, %arg14: memref<1x128xf32, #tpu.memory_space<vmem>>, %arg15: memref<1x1xf32, #tpu.memory_space<vmem>>, %arg16: memref<10000x128xf32, #tpu.memory_space<vmem>>, %arg17: memref<10000x1xf32, #tpu.memory_space<vmem>>, %arg18: memref<1000x128xf32, #tpu.memory_space<vmem>>) attributes {dimension_semantics = [#tpu.dimension_semantics<arbitrary>], iteration_bounds = array<i64: 1>, scalar_prefetch = 1 : i64, scratch_operands = 1 : i64, tpu.core_type = #tpu.core_type<tc>, window_params = [{pipeline_mode = #tpu.pipeline_mode<synchronous>, transform_indices = @transform_0, window_bounds = array<i64: 10000, 128>}, {pipeline_mode = #tpu.pipeline_mode<synchronous>, transform_indices = @transform_1, window_bounds = array<i64: 10000, 1>}, {pipeline_mode = #tpu.pipeline_mode<synchronous>, transform_indices = @transform_2, window_bounds = array<i64: 1000, 1>}, {pipeline_mode = #tpu.pipeline_mode<synchronous>, transform_indices = @transform_3, window_bounds = array<i64: 1, 1536>}, {pipeline_mode = #tpu.pipeline_mode<synchronous>, transform_indices = @transform_4, window_bounds = array<i64: 1664, 128>}, {pipeline_mode = #tpu.pipeline_mode<synchronous>, transform_indices = @transform_5, window_bounds = array<i64: 1, 128>}, {pipeline_mode = #tpu.pipeline_mode<synchronous>, transform_indices = @transform_6, window_bounds = array<i64: 1, 128>}, {pipeline_mode = #tpu.pipeline_mode<synchronous>, transform_indices = @transform_7, window_bounds = array<i64: 128, 128>}, {pipeline_mode = #tpu.pipeline_mode<synchronous>, transform_indices = @transform_8, window_bounds = array<i64: 128, 128>}, {pipeline_mode = #tpu.pipeline_mode<synchronous>, transform_indices = @transform_9, window_bounds = array<i64: 1, 128>}, {pipeline_mode = #tpu.pipeline_mode<synchronous>, transform_indices = @transform_10, window_bounds = array<i64: 128, 128>}, {pipeline_mode = #tpu.pipeline_mode<synchronous>, transform_indices = @transform_11, window_bounds = array<i64: 1, 128>}, {pipeline_mode = #tpu.pipeline_mode<synchronous>, transform_indices = @transform_12, window_bounds = array<i64: 1, 128>}, {pipeline_mode = #tpu.pipeline_mode<synchronous>, transform_indices = @transform_13, window_bounds = array<i64: 1, 1>}, {pipeline_mode = #tpu.pipeline_mode<synchronous>, transform_indices = @transform_14, window_bounds = array<i64: 10000, 128>}, {pipeline_mode = #tpu.pipeline_mode<synchronous>, transform_indices = @transform_15, window_bounds = array<i64: 10000, 1>}]} {
    %scan3A = arith.constant 0 : i32
    %scan3A_0 = arith.constant 1000 : i32
    %scan3A_1 = arith.addi %scan3A, %scan3A_0 : i32
    %scan3A_2 = arith.constant 1 : i32
    scf.for %scan3A_100 = %scan3A to %scan3A_1 step %scan3A_2  : i32 {
      %get3A_101 = arith.index_cast %scan3A_100 : i32 to index
      %get3A_102 = memref.load %arg1[%get3A_101] : memref<1000xi32, #tpu.memory_space<smem>>
      %get3A_103 = arith.index_cast %get3A_102 : i32 to index
      %get3A_104 = arith.constant 0 : index
      %get3A_105 = vector.load %arg2[%get3A_103, %get3A_104] : memref<10000x128xf32, #tpu.memory_space<vmem>>, vector<1x128xf32>
      %swap3A_106 = arith.index_cast %scan3A_100 : i32 to index
      %swap3A_107 = arith.constant 0 : index
      %swap3A_108 = vector.load %arg18[%swap3A_106, %swap3A_107] : memref<1000x128xf32, #tpu.memory_space<vmem>>, vector<1x128xf32>
      tpu.vector_store %arg18[%swap3A_106, %swap3A_107], %get3A_105 {strides = array<i32>} : memref<1000x128xf32, #tpu.memory_space<vmem>>, vector<1x128xf32>,
    }
    %scan3A_3 = arith.constant 1000 : i32
    %get3A = arith.constant 0 : index
    %get3A_4 = arith.constant 0 : index
    %get3A_5 = vector.load %arg18[%get3A, %get3A_4] : memref<1000x128xf32, #tpu.memory_space<vmem>>, vector<1000x128xf32>
    %get3A_6 = arith.constant 0 : index
    %get3A_7 = arith.constant 0 : index
    %get3A_8 = vector.load %arg6[%get3A_6, %get3A_7] : memref<1664x128xf32, #tpu.memory_space<vmem>>, vector<128x128xf32>
    %dot_general3A = arith.constant dense<0.000000e+00> : vector<1000x128xf32>
    %dot_general3A_9 = tpu.matmul %get3A_5, %get3A_8, %dot_general3A {dimension_numbers = #tpu.dot_dimension_numbers<[1], [0], [0], [1], [0, 0, 1, 1], [], []>, transpose_lhs_hint = false} : vector<1000x128xf32>, vector<128x128xf32>, vector<1000x128xf32> -> vector<1000x128xf32>
    %get3A_10 = arith.constant 0 : index
    %get3A_11 = arith.constant 0 : index
    %get3A_12 = vector.load %arg5[%get3A_10, %get3A_11] : memref<1x1536xf32, #tpu.memory_space<vmem>>, vector<1x1536xf32>
    %get3A_13 = arith.constant 128 : index
    %get3A_14 = arith.constant 0 : index
    %get3A_15 = vector.load %arg6[%get3A_13, %get3A_14] : memref<1664x128xf32, #tpu.memory_space<vmem>>, vector<1536x128xf32>
    %dot_general3A_16 = arith.constant dense<0.000000e+00> : vector<1x128xf32>
    %dot_general3A_17 = tpu.matmul %get3A_12, %get3A_15, %dot_general3A_16 {dimension_numbers = #tpu.dot_dimension_numbers<[1], [0], [0], [1], [0, 0, 1, 1], [], []>, transpose_lhs_hint = false} : vector<1x1536xf32>, vector<1536x128xf32>, vector<1x128xf32> -> vector<1x128xf32>
    %add3A = vector.broadcast %dot_general3A_17 : vector<1x128xf32> to vector<1000x128xf32>
    %add3A_18 = arith.addf %dot_general3A_9, %add3A : vector<1000x128xf32>
    %get3A_19 = arith.constant 0 : index
    %get3A_20 = arith.constant 0 : index
    %get3A_21 = vector.load %arg7[%get3A_19, %get3A_20] : memref<1x128xf32, #tpu.memory_space<vmem>>, vector<1x128xf32>
    %add3A_22 = vector.broadcast %get3A_21 : vector<1x128xf32> to vector<1000x128xf32>
    %add3A_23 = arith.addf %add3A_18, %add3A_22 : vector<1000x128xf32>
    %get3A_24 = arith.constant 0 : index
    %get3A_25 = arith.constant 0 : index
    %get3A_26 = vector.load %arg4[%get3A_24, %get3A_25] : memref<1000x1xf32, #tpu.memory_space<vmem>>, vector<1000x1xf32>
    %mul3A = vector.broadcast %get3A_26 : vector<1000x1xf32> to vector<1000x128xf32>
    %mul3A_27 = arith.mulf %mul3A, %add3A_23 : vector<1000x128xf32>
    %add3A_28 = arith.addf %get3A_5, %mul3A_27 : vector<1000x128xf32>
    %swap3A = arith.constant 0 : index
    %swap3A_29 = arith.constant 0 : index
    %swap3A_30 = vector.load %arg18[%swap3A, %swap3A_29] : memref<1000x128xf32, #tpu.memory_space<vmem>>, vector<1000x128xf32>
    tpu.vector_store %arg18[%swap3A, %swap3A_29], %add3A_28 {strides = array<i32>} : memref<1000x128xf32, #tpu.memory_space<vmem>>, vector<1000x128xf32>,
    %get3A_31 = arith.constant 0 : index
    %get3A_32 = arith.constant 0 : index
    %get3A_33 = vector.load %arg2[%get3A_31, %get3A_32] : memref<10000x128xf32, #tpu.memory_space<vmem>>, vector<10000x128xf32>
    %swap3A_34 = arith.constant 0 : index
    %swap3A_35 = arith.constant 0 : index
    %swap3A_36 = vector.load %arg16[%swap3A_34, %swap3A_35] : memref<10000x128xf32, #tpu.memory_space<vmem>>, vector<10000x128xf32>
    tpu.vector_store %arg16[%swap3A_34, %swap3A_35], %get3A_33 {strides = array<i32>} : memref<10000x128xf32, #tpu.memory_space<vmem>>, vector<10000x128xf32>,
    %scan3A_37 = arith.constant 0 : i32
    %scan3A_38 = arith.constant 1000 : i32
    %scan3A_39 = arith.addi %scan3A_37, %scan3A_38 : i32
    %scan3A_40 = arith.constant 1 : i32
    scf.for %scan3A_100 = %scan3A_37 to %scan3A_39 step %scan3A_40  : i32 {
      %get3A_101 = arith.index_cast %scan3A_100 : i32 to index
      %get3A_102 = memref.load %arg1[%get3A_101] : memref<1000xi32, #tpu.memory_space<smem>>
      %get3A_103 = arith.index_cast %scan3A_100 : i32 to index
      %get3A_104 = arith.constant 0 : index
      %get3A_105 = vector.load %arg18[%get3A_103, %get3A_104] : memref<1000x128xf32, #tpu.memory_space<vmem>>, vector<1x128xf32>
      %swap3A_106 = arith.index_cast %get3A_102 : i32 to index
      %swap3A_107 = arith.constant 0 : index
      %swap3A_108 = vector.load %arg16[%swap3A_106, %swap3A_107] : memref<10000x128xf32, #tpu.memory_space<vmem>>, vector<1x128xf32>
      tpu.vector_store %arg16[%swap3A_106, %swap3A_107], %get3A_105 {strides = array<i32>} : memref<10000x128xf32, #tpu.memory_space<vmem>>, vector<1x128xf32>,
    }
    %scan3A_41 = arith.constant 1000 : i32
    %get3A_42 = arith.constant 0 : index
    %get3A_43 = arith.constant 0 : index
    %get3A_44 = vector.load %arg8[%get3A_42, %get3A_43] : memref<1x128xf32, #tpu.memory_space<vmem>>, vector<1x128xf32>
    %get3A_45 = arith.constant 0 : index
    %get3A_46 = arith.constant 0 : index
    %get3A_47 = vector.load %arg3[%get3A_45, %get3A_46] : memref<10000x1xf32, #tpu.memory_space<vmem>>, vector<10000x1xf32>
    %swap3A_48 = arith.constant 0 : index
    %swap3A_49 = arith.constant 0 : index
    %swap3A_50 = vector.load %arg17[%swap3A_48, %swap3A_49] : memref<10000x1xf32, #tpu.memory_space<vmem>>, vector<10000x1xf32>
    tpu.vector_store %arg17[%swap3A_48, %swap3A_49], %get3A_47 {strides = array<i32>} : memref<10000x1xf32, #tpu.memory_space<vmem>>, vector<10000x1xf32>,
    %get3A_51 = arith.constant 0 : index
    %get3A_52 = arith.constant 0 : index
    %get3A_53 = vector.load %arg9[%get3A_51, %get3A_52] : memref<128x128xf32, #tpu.memory_space<vmem>>, vector<128x128xf32>
    %dot_general3A_54 = arith.constant dense<0.000000e+00> : vector<1000x128xf32>
    %dot_general3A_55 = tpu.matmul %add3A_28, %get3A_53, %dot_general3A_54 {dimension_numbers = #tpu.dot_dimension_numbers<[1], [0], [0], [1], [0, 0, 1, 1], [], []>, transpose_lhs_hint = false} : vector<1000x128xf32>, vector<128x128xf32>, vector<1000x128xf32> -> vector<1000x128xf32>
    %get3A_56 = arith.constant 0 : index
    %get3A_57 = arith.constant 0 : index
    %get3A_58 = vector.load %arg10[%get3A_56, %get3A_57] : memref<128x128xf32, #tpu.memory_space<vmem>>, vector<128x128xf32>
    %dot_general3A_59 = arith.constant dense<0.000000e+00> : vector<1x128xf32>
    %dot_general3A_60 = tpu.matmul %get3A_44, %get3A_58, %dot_general3A_59 {dimension_numbers = #tpu.dot_dimension_numbers<[1], [0], [0], [1], [0, 0, 1, 1], [], []>, transpose_lhs_hint = false} : vector<1x128xf32>, vector<128x128xf32>, vector<1x128xf32> -> vector<1x128xf32>
    %add3A_61 = vector.broadcast %dot_general3A_60 : vector<1x128xf32> to vector<1000x128xf32>
    %add3A_62 = arith.addf %dot_general3A_55, %add3A_61 : vector<1000x128xf32>
    %get3A_63 = arith.constant 0 : index
    %get3A_64 = arith.constant 0 : index
    %get3A_65 = vector.load %arg11[%get3A_63, %get3A_64] : memref<1x128xf32, #tpu.memory_space<vmem>>, vector<1x128xf32>
    %add3A_66 = vector.broadcast %get3A_65 : vector<1x128xf32> to vector<1000x128xf32>
    %add3A_67 = arith.addf %add3A_62, %add3A_66 : vector<1000x128xf32>
    %mul3A_68 = arith.mulf %add3A_67, %add3A_28 : vector<1000x128xf32>
    %get3A_69 = arith.constant 0 : index
    %get3A_70 = arith.constant 0 : index
    %get3A_71 = vector.load %arg12[%get3A_69, %get3A_70] : memref<128x128xf32, #tpu.memory_space<vmem>>, vector<128x128xf32>
    %dot_general3A_72 = arith.constant dense<0.000000e+00> : vector<1000x128xf32>
    %dot_general3A_73 = tpu.matmul %mul3A_68, %get3A_71, %dot_general3A_72 {dimension_numbers = #tpu.dot_dimension_numbers<[1], [0], [0], [1], [0, 0, 1, 1], [], []>, transpose_lhs_hint = false} : vector<1000x128xf32>, vector<128x128xf32>, vector<1000x128xf32> -> vector<1000x128xf32>
    %get3A_74 = arith.constant 0 : index
    %get3A_75 = arith.constant 0 : index
    %get3A_76 = vector.load %arg13[%get3A_74, %get3A_75] : memref<1x128xf32, #tpu.memory_space<vmem>>, vector<1x128xf32>
    %add3A_77 = vector.broadcast %get3A_76 : vector<1x128xf32> to vector<1000x128xf32>
    %add3A_78 = arith.addf %dot_general3A_73, %add3A_77 : vector<1000x128xf32>
    %max3A = arith.constant 0.000000e+00 : f32
    %max3A_79 = vector.broadcast %max3A : f32 to vector<1000x128xf32>
    %max3A_80 = arith.maximumf %add3A_78, %max3A_79 : vector<1000x128xf32>
    %get3A_81 = arith.constant 0 : index
    %get3A_82 = arith.constant 0 : index
    %get3A_83 = vector.load %arg14[%get3A_81, %get3A_82] : memref<1x128xf32, #tpu.memory_space<vmem>>, vector<1x128xf32>
    %mul3A_84 = vector.broadcast %get3A_83 : vector<1x128xf32> to vector<1000x128xf32>
    %mul3A_85 = arith.mulf %max3A_80, %mul3A_84 : vector<1000x128xf32>
    %reduce_sum3A = arith.constant dense<0.000000e+00> : vector<1000xf32>
    %reduce_sum3A_86 = vector.multi_reduction <add>, %mul3A_85, %reduce_sum3A [1] : vector<1000x128xf32> to vector<1000xf32>
    %broadcast_in_dim3A = vector.shape_cast %reduce_sum3A_86 : vector<1000xf32> to vector<1000x1xf32>
    %get3A_87 = arith.constant 0 : index
    %get3A_88 = arith.constant 0 : index
    %get3A_89 = vector.load %arg15[%get3A_87, %get3A_88] : memref<1x1xf32, #tpu.memory_space<vmem>>, vector<1x1xf32>
    %add3A_90 = vector.broadcast %get3A_89 : vector<1x1xf32> to vector<1000x1xf32>
    %add3A_91 = arith.addf %broadcast_in_dim3A, %add3A_90 : vector<1000x1xf32>
    %swap3A_92 = arith.constant 0 : index
    %swap3A_93 = arith.constant 0 : index
    %swap3A_94 = vector.load %arg18[%swap3A_92, %swap3A_93] : memref<1000x128xf32, #tpu.memory_space<vmem>>, vector<1000x1xf32>
    tpu.vector_store %arg18[%swap3A_92, %swap3A_93], %add3A_91 {strides = array<i32>} : memref<1000x128xf32, #tpu.memory_space<vmem>>, vector<1000x1xf32>,
    %scan3A_95 = arith.constant 0 : i32
    %scan3A_96 = arith.constant 1000 : i32
    %scan3A_97 = arith.addi %scan3A_95, %scan3A_96 : i32
    %scan3A_98 = arith.constant 1 : i32
    scf.for %scan3A_100 = %scan3A_95 to %scan3A_97 step %scan3A_98  : i32 {
      %get3A_101 = arith.index_cast %scan3A_100 : i32 to index
      %get3A_102 = memref.load %arg1[%get3A_101] : memref<1000xi32, #tpu.memory_space<smem>>
      %get3A_103 = arith.index_cast %scan3A_100 : i32 to index
      %get3A_104 = arith.constant 0 : index
      %get3A_105 = vector.load %arg18[%get3A_103, %get3A_104] : memref<1000x128xf32, #tpu.memory_space<vmem>>, vector<1x1xf32>
      %swap3A_106 = arith.index_cast %get3A_102 : i32 to index
      %swap3A_107 = arith.constant 0 : index
      %swap3A_108 = vector.load %arg17[%swap3A_106, %swap3A_107] : memref<10000x1xf32, #tpu.memory_space<vmem>>, vector<1x1xf32>
      tpu.vector_store %arg17[%swap3A_106, %swap3A_107], %get3A_105 {strides = array<i32>} : memref<10000x1xf32, #tpu.memory_space<vmem>>, vector<1x1xf32>,
    }
    %scan3A_99 = arith.constant 1000 : i32
    return
  }
  func.func @transform_0(%arg0: i32, %arg1: memref<1000xi32, #tpu.memory_space<smem>>) -> (i32, i32) {
    %c0_i32 = arith.constant 0 : i32
    %c0_i32_0 = arith.constant 0 : i32
    %c0_i32_1 = arith.constant 0 : i32
    return %c0_i32, %c0_i32_0 : i32, i32
  }
  func.func @transform_1(%arg0: i32, %arg1: memref<1000xi32, #tpu.memory_space<smem>>) -> (i32, i32) {
    %c0_i32 = arith.constant 0 : i32
    %c0_i32_0 = arith.constant 0 : i32
    %c0_i32_1 = arith.constant 0 : i32
    return %c0_i32, %c0_i32_0 : i32, i32
  }
  func.func @transform_2(%arg0: i32, %arg1: memref<1000xi32, #tpu.memory_space<smem>>) -> (i32, i32) {
    %c0_i32 = arith.constant 0 : i32
    %c0_i32_0 = arith.constant 0 : i32
    %c0_i32_1 = arith.constant 0 : i32
    return %c0_i32, %c0_i32_0 : i32, i32
  }
  func.func @transform_3(%arg0: i32, %arg1: memref<1000xi32, #tpu.memory_space<smem>>) -> (i32, i32) {
    %c0_i32 = arith.constant 0 : i32
    %c0_i32_0 = arith.constant 0 : i32
    %c0_i32_1 = arith.constant 0 : i32
    return %c0_i32, %c0_i32_0 : i32, i32
  }
  func.func @transform_4(%arg0: i32, %arg1: memref<1000xi32, #tpu.memory_space<smem>>) -> (i32, i32) {
    %c0_i32 = arith.constant 0 : i32
    %c0_i32_0 = arith.constant 0 : i32
    %c0_i32_1 = arith.constant 0 : i32
    return %c0_i32, %c0_i32_0 : i32, i32
  }
  func.func @transform_5(%arg0: i32, %arg1: memref<1000xi32, #tpu.memory_space<smem>>) -> (i32, i32) {
    %c0_i32 = arith.constant 0 : i32
    %c0_i32_0 = arith.constant 0 : i32
    %c0_i32_1 = arith.constant 0 : i32
    return %c0_i32, %c0_i32_0 : i32, i32
  }
  func.func @transform_6(%arg0: i32, %arg1: memref<1000xi32, #tpu.memory_space<smem>>) -> (i32, i32) {
    %c0_i32 = arith.constant 0 : i32
    %c0_i32_0 = arith.constant 0 : i32
    %c0_i32_1 = arith.constant 0 : i32
    return %c0_i32, %c0_i32_0 : i32, i32
  }
  func.func @transform_7(%arg0: i32, %arg1: memref<1000xi32, #tpu.memory_space<smem>>) -> (i32, i32) {
    %c0_i32 = arith.constant 0 : i32
    %c0_i32_0 = arith.constant 0 : i32
    %c0_i32_1 = arith.constant 0 : i32
    return %c0_i32, %c0_i32_0 : i32, i32
  }
  func.func @transform_8(%arg0: i32, %arg1: memref<1000xi32, #tpu.memory_space<smem>>) -> (i32, i32) {
    %c0_i32 = arith.constant 0 : i32
    %c0_i32_0 = arith.constant 0 : i32
    %c0_i32_1 = arith.constant 0 : i32
    return %c0_i32, %c0_i32_0 : i32, i32
  }
  func.func @transform_9(%arg0: i32, %arg1: memref<1000xi32, #tpu.memory_space<smem>>) -> (i32, i32) {
    %c0_i32 = arith.constant 0 : i32
    %c0_i32_0 = arith.constant 0 : i32
    %c0_i32_1 = arith.constant 0 : i32
    return %c0_i32, %c0_i32_0 : i32, i32
  }
  func.func @transform_10(%arg0: i32, %arg1: memref<1000xi32, #tpu.memory_space<smem>>) -> (i32, i32) {
    %c0_i32 = arith.constant 0 : i32
    %c0_i32_0 = arith.constant 0 : i32
    %c0_i32_1 = arith.constant 0 : i32
    return %c0_i32, %c0_i32_0 : i32, i32
  }
  func.func @transform_11(%arg0: i32, %arg1: memref<1000xi32, #tpu.memory_space<smem>>) -> (i32, i32) {
    %c0_i32 = arith.constant 0 : i32
    %c0_i32_0 = arith.constant 0 : i32
    %c0_i32_1 = arith.constant 0 : i32
    return %c0_i32, %c0_i32_0 : i32, i32
  }
  func.func @transform_12(%arg0: i32, %arg1: memref<1000xi32, #tpu.memory_space<smem>>) -> (i32, i32) {
    %c0_i32 = arith.constant 0 : i32
    %c0_i32_0 = arith.constant 0 : i32
    %c0_i32_1 = arith.constant 0 : i32
    return %c0_i32, %c0_i32_0 : i32, i32
  }
  func.func @transform_13(%arg0: i32, %arg1: memref<1000xi32, #tpu.memory_space<smem>>) -> (i32, i32) {
    %c0_i32 = arith.constant 0 : i32
    %c0_i32_0 = arith.constant 0 : i32
    %c0_i32_1 = arith.constant 0 : i32
    return %c0_i32, %c0_i32_0 : i32, i32
  }
  func.func @transform_14(%arg0: i32, %arg1: memref<1000xi32, #tpu.memory_space<smem>>) -> (i32, i32) {
    %c0_i32 = arith.constant 0 : i32
    %c0_i32_0 = arith.constant 0 : i32
    %c0_i32_1 = arith.constant 0 : i32
    return %c0_i32, %c0_i32_0 : i32, i32
  }
  func.func @transform_15(%arg0: i32, %arg1: memref<1000xi32, #tpu.memory_space<smem>>) -> (i32, i32) {
    %c0_i32 = arith.constant 0 : i32
    %c0_i32_0 = arith.constant 0 : i32
    %c0_i32_1 = arith.constant 0 : i32
    return %c0_i32, %c0_i32_0 : i32, i32
  }
}

module attributes {stable_mosaic.version = 14 : i64} {
  func.func @_score_body(%arg0: i32, %arg1: memref<64x128xf32, #tpu.memory_space<vmem>>, %arg2: memref<64x128xf32, #tpu.memory_space<vmem>>, %arg3: memref<128x128xf32, #tpu.memory_space<vmem>>, %arg4: memref<128x128xf32, #tpu.memory_space<vmem>>, %arg5: memref<1x128xf32, #tpu.memory_space<vmem>>, %arg6: memref<128x128xf32, #tpu.memory_space<vmem>>, %arg7: memref<1x128xf32, #tpu.memory_space<vmem>>, %arg8: memref<1x128xf32, #tpu.memory_space<vmem>>, %arg9: memref<1x1xf32, #tpu.memory_space<vmem>>, %arg10: memref<64x1xf32, #tpu.memory_space<vmem>>) attributes {dimension_semantics = [#tpu.dimension_semantics<arbitrary>], iteration_bounds = array<i64: 1>, scalar_prefetch = 0 : i64, scratch_operands = 0 : i64, tpu.core_type = #tpu.core_type<tc>, window_params = [{pipeline_mode = #tpu.pipeline_mode<synchronous>, transform_indices = @transform_0, window_bounds = array<i64: 64, 128>}, {pipeline_mode = #tpu.pipeline_mode<synchronous>, transform_indices = @transform_1, window_bounds = array<i64: 64, 128>}, {pipeline_mode = #tpu.pipeline_mode<synchronous>, transform_indices = @transform_2, window_bounds = array<i64: 128, 128>}, {pipeline_mode = #tpu.pipeline_mode<synchronous>, transform_indices = @transform_3, window_bounds = array<i64: 128, 128>}, {pipeline_mode = #tpu.pipeline_mode<synchronous>, transform_indices = @transform_4, window_bounds = array<i64: 1, 128>}, {pipeline_mode = #tpu.pipeline_mode<synchronous>, transform_indices = @transform_5, window_bounds = array<i64: 128, 128>}, {pipeline_mode = #tpu.pipeline_mode<synchronous>, transform_indices = @transform_6, window_bounds = array<i64: 1, 128>}, {pipeline_mode = #tpu.pipeline_mode<synchronous>, transform_indices = @transform_7, window_bounds = array<i64: 1, 128>}, {pipeline_mode = #tpu.pipeline_mode<synchronous>, transform_indices = @transform_8, window_bounds = array<i64: 1, 1>}, {pipeline_mode = #tpu.pipeline_mode<synchronous>, transform_indices = @transform_9, window_bounds = array<i64: 64, 1>}]} {
    %get3A = arith.constant 0 : index
    %get3A_0 = arith.constant 0 : index
    %get3A_1 = vector.load %arg1[%get3A, %get3A_0] : memref<64x128xf32, #tpu.memory_space<vmem>>, vector<64x128xf32>
    %get3A_2 = arith.constant 0 : index
    %get3A_3 = arith.constant 0 : index
    %get3A_4 = vector.load %arg2[%get3A_2, %get3A_3] : memref<64x128xf32, #tpu.memory_space<vmem>>, vector<64x128xf32>
    %get3A_5 = arith.constant 0 : index
    %get3A_6 = arith.constant 0 : index
    %get3A_7 = vector.load %arg3[%get3A_5, %get3A_6] : memref<128x128xf32, #tpu.memory_space<vmem>>, vector<128x128xf32>
    %dot_general3A = arith.constant dense<0.000000e+00> : vector<64x128xf32>
    %dot_general3A_8 = tpu.matmul %get3A_1, %get3A_7, %dot_general3A {dimension_numbers = #tpu.dot_dimension_numbers<[1], [0], [0], [1], [0, 0, 1, 1], [], []>, transpose_lhs_hint = false} : vector<64x128xf32>, vector<128x128xf32>, vector<64x128xf32> -> vector<64x128xf32>
    %get3A_9 = arith.constant 0 : index
    %get3A_10 = arith.constant 0 : index
    %get3A_11 = vector.load %arg4[%get3A_9, %get3A_10] : memref<128x128xf32, #tpu.memory_space<vmem>>, vector<128x128xf32>
    %dot_general3A_12 = arith.constant dense<0.000000e+00> : vector<64x128xf32>
    %dot_general3A_13 = tpu.matmul %get3A_4, %get3A_11, %dot_general3A_12 {dimension_numbers = #tpu.dot_dimension_numbers<[1], [0], [0], [1], [0, 0, 1, 1], [], []>, transpose_lhs_hint = false} : vector<64x128xf32>, vector<128x128xf32>, vector<64x128xf32> -> vector<64x128xf32>
    %add3A = arith.addf %dot_general3A_8, %dot_general3A_13 : vector<64x128xf32>
    %get3A_14 = arith.constant 0 : index
    %get3A_15 = arith.constant 0 : index
    %get3A_16 = vector.load %arg5[%get3A_14, %get3A_15] : memref<1x128xf32, #tpu.memory_space<vmem>>, vector<1x128xf32>
    %add3A_17 = vector.broadcast %get3A_16 : vector<1x128xf32> to vector<64x128xf32>
    %add3A_18 = arith.addf %add3A, %add3A_17 : vector<64x128xf32>
    %mul3A = arith.mulf %add3A_18, %get3A_1 : vector<64x128xf32>
    %get3A_19 = arith.constant 0 : index
    %get3A_20 = arith.constant 0 : index
    %get3A_21 = vector.load %arg6[%get3A_19, %get3A_20] : memref<128x128xf32, #tpu.memory_space<vmem>>, vector<128x128xf32>
    %dot_general3A_22 = arith.constant dense<0.000000e+00> : vector<64x128xf32>
    %dot_general3A_23 = tpu.matmul %mul3A, %get3A_21, %dot_general3A_22 {dimension_numbers = #tpu.dot_dimension_numbers<[1], [0], [0], [1], [0, 0, 1, 1], [], []>, transpose_lhs_hint = false} : vector<64x128xf32>, vector<128x128xf32>, vector<64x128xf32> -> vector<64x128xf32>
    %get3A_24 = arith.constant 0 : index
    %get3A_25 = arith.constant 0 : index
    %get3A_26 = vector.load %arg7[%get3A_24, %get3A_25] : memref<1x128xf32, #tpu.memory_space<vmem>>, vector<1x128xf32>
    %add3A_27 = vector.broadcast %get3A_26 : vector<1x128xf32> to vector<64x128xf32>
    %add3A_28 = arith.addf %dot_general3A_23, %add3A_27 : vector<64x128xf32>
    %max3A = arith.constant 0.000000e+00 : f32
    %max3A_29 = vector.broadcast %max3A : f32 to vector<64x128xf32>
    %max3A_30 = arith.maximumf %add3A_28, %max3A_29 : vector<64x128xf32>
    %get3A_31 = arith.constant 0 : index
    %get3A_32 = arith.constant 0 : index
    %get3A_33 = vector.load %arg8[%get3A_31, %get3A_32] : memref<1x128xf32, #tpu.memory_space<vmem>>, vector<1x128xf32>
    %mul3A_34 = vector.broadcast %get3A_33 : vector<1x128xf32> to vector<64x128xf32>
    %mul3A_35 = arith.mulf %max3A_30, %mul3A_34 : vector<64x128xf32>
    %reduce_sum3A = arith.constant dense<0.000000e+00> : vector<64xf32>
    %reduce_sum3A_36 = vector.multi_reduction <add>, %mul3A_35, %reduce_sum3A [1] : vector<64x128xf32> to vector<64xf32>
    %broadcast_in_dim3A = vector.shape_cast %reduce_sum3A_36 : vector<64xf32> to vector<64x1xf32>
    %get3A_37 = arith.constant 0 : index
    %get3A_38 = arith.constant 0 : index
    %get3A_39 = vector.load %arg9[%get3A_37, %get3A_38] : memref<1x1xf32, #tpu.memory_space<vmem>>, vector<1x1xf32>
    %add3A_40 = vector.broadcast %get3A_39 : vector<1x1xf32> to vector<64x1xf32>
    %add3A_41 = arith.addf %broadcast_in_dim3A, %add3A_40 : vector<64x1xf32>
    %swap3A = arith.constant 0 : index
    %swap3A_42 = arith.constant 0 : index
    %swap3A_43 = vector.load %arg10[%swap3A, %swap3A_42] : memref<64x1xf32, #tpu.memory_space<vmem>>, vector<64x1xf32>
    tpu.vector_store %arg10[%swap3A, %swap3A_42], %add3A_41 {strides = array<i32>} : memref<64x1xf32, #tpu.memory_space<vmem>>, vector<64x1xf32>,
    return
  }
  func.func @transform_0(%arg0: i32) -> (i32, i32) {
    %c0_i32 = arith.constant 0 : i32
    %c0_i32_0 = arith.constant 0 : i32
    %c0_i32_1 = arith.constant 0 : i32
    return %c0_i32, %c0_i32_0 : i32, i32
  }
  func.func @transform_1(%arg0: i32) -> (i32, i32) {
    %c0_i32 = arith.constant 0 : i32
    %c0_i32_0 = arith.constant 0 : i32
    %c0_i32_1 = arith.constant 0 : i32
    return %c0_i32, %c0_i32_0 : i32, i32
  }
  func.func @transform_2(%arg0: i32) -> (i32, i32) {
    %c0_i32 = arith.constant 0 : i32
    %c0_i32_0 = arith.constant 0 : i32
    %c0_i32_1 = arith.constant 0 : i32
    return %c0_i32, %c0_i32_0 : i32, i32
  }
  func.func @transform_3(%arg0: i32) -> (i32, i32) {
    %c0_i32 = arith.constant 0 : i32
    %c0_i32_0 = arith.constant 0 : i32
    %c0_i32_1 = arith.constant 0 : i32
    return %c0_i32, %c0_i32_0 : i32, i32
  }
  func.func @transform_4(%arg0: i32) -> (i32, i32) {
    %c0_i32 = arith.constant 0 : i32
    %c0_i32_0 = arith.constant 0 : i32
    %c0_i32_1 = arith.constant 0 : i32
    return %c0_i32, %c0_i32_0 : i32, i32
  }
  func.func @transform_5(%arg0: i32) -> (i32, i32) {
    %c0_i32 = arith.constant 0 : i32
    %c0_i32_0 = arith.constant 0 : i32
    %c0_i32_1 = arith.constant 0 : i32
    return %c0_i32, %c0_i32_0 : i32, i32
  }
  func.func @transform_6(%arg0: i32) -> (i32, i32) {
    %c0_i32 = arith.constant 0 : i32
    %c0_i32_0 = arith.constant 0 : i32
    %c0_i32_1 = arith.constant 0 : i32
    return %c0_i32, %c0_i32_0 : i32, i32
  }
  func.func @transform_7(%arg0: i32) -> (i32, i32) {
    %c0_i32 = arith.constant 0 : i32
    %c0_i32_0 = arith.constant 0 : i32
    %c0_i32_1 = arith.constant 0 : i32
    return %c0_i32, %c0_i32_0 : i32, i32
  }
  func.func @transform_8(%arg0: i32) -> (i32, i32) {
    %c0_i32 = arith.constant 0 : i32
    %c0_i32_0 = arith.constant 0 : i32
    %c0_i32_1 = arith.constant 0 : i32
    return %c0_i32, %c0_i32_0 : i32, i32
  }
  func.func @transform_9(%arg0: i32) -> (i32, i32) {
    %c0_i32 = arith.constant 0 : i32
    %c0_i32_0 = arith.constant 0 : i32
    %c0_i32_1 = arith.constant 0 : i32
    return %c0_i32, %c0_i32_0 : i32, i32
  }
}

</mosaic_0001>

<sc_bundles>
// kernel: kernel.7.cloned.1.call-start
scs
__scs_entry_jumppad:
0x0: {  	(pc) =	sbr.rel $0x88, $3  }
0x1: {  	(tag) =	ssettag $0x0;
	lr =	simm.s32 $0x1  }
0x2: {  	[smem:$0x3F92] =	sst lr;
	_ =	strace $0xD0000000  }
0x3: {  	_ = 	snop  }
0x4: {  	_ = 	snop  }
0x5: {  	_ = 	snop  }
0x6: {  	_ = 	snop  }
0x7: {  	_ = 	snop  }
__scs_overlays_trampoline_lowered:
0x8: {  	[smem:$0x3FA1] =	sst s0  }
0x9: {  	[smem:$0x3FA2] =	sst s1  }
0xa: {  	[smem:$0x3FA3] =	sst s2  }
0xb: {  	[smem:$0x3FA4] =	sst s3  }
0xc: {  	[smem:$0x3FA5] =	sst s4  }
0xd: {  	[smem:$0x3FA6] =	sst s5  }
0xe: {  	[smem:$0x3FA7] =	sst s6  }
0xf: {  	[smem:$0x3FA8] =	sst s7  }
0x10: {  	[smem:$0x3FA9] =	sst s8  }
0x11: {  	[smem:$0x3FAA] =	sst s9;
	s0 =	simm.s32 @!p0 $0x0  }
0x12: {  	s1 =	sld [smem:$0x3F90];
	s0 =	simm.s32 @p0 $0x1  }
0x13: {  	[smem:$0x3FAB] =	sst s0;
	s0 =	simm.s32 @!p1 $0x0  }
0x14: {  	s2 =	sld [smem:$0x3F8F];
	s0 =	simm.s32 @p1 $0x1  }
0x15: {  	[smem:$0x3FAC] =	sst s0;
	s0 =	simm.s32 @!p2 $0x0  }
0x16: {  	s3 =	sld [smem:$0x3FDB];
	s0 =	simm.s32 @p2 $0x1  }
0x17: {  	s4 =	simm.s32 $0x1BF5;
	[smem:$0x3FAE] =	sst s0  }
0x18: {  	s0 =	sld [smem:$0x3F91];
	_ =	swait.ge [sflag:s4], $0x0  }
0x19: {  	s7 =	sld [smem:$0x3F92]  }
0x1a: {  	s8 =	sadd.s32 $0xFFFFE003, lr  }
0x1b: {  	s9 =	sadd.s32 $0xFFFFFEF7, lr;
	s5 =	simm.s32 $0xFFFFFFFF;
	p2 =	slt.u32 s8, $0xFFFFF086  }
0x1c: {  	p1 =	slt.u32 s9, $0xF7A;
	s5 =	simm.s32 @!p2 $0x0  }
0x1d: {  	s5 =	simm.s32 @p1 $0x1;
	p0 =	seq.s32 s7, s2  }
0x1e: {  	s7 =	smul.u32 @!p0 $0xF7A, s2;
	p2 =	seq.s32 @!p0 s5, $0x0  }
0x1f: {  	s9 =	smul.u32 $0xF7A, s1;
	s8 =	simm.s32 @!p0 $0x1BF5;
	p2 =	por !p2, p0  }
0x20: {  	[sflag:s8] =	ssyncset.s32 @!p0 $0xFFFFF086;
	s6 =	sadd.s32 @!p0 s3, s7;
	s7 =	simm.s32 @!p0 $0x108  }
0x21: {  	s3 =	sadd.s32 s3, s9;
	s6 =	sadd.s32 @!p0 $0x88, s6;
	s7 =	simm.s32 @p2 $0x1082  }
0x22: {  	[simem:s7], [sflag:s8] =	dma.local @!p0 [hbm:s6], $0xF7A  }
0x23: {  	s9 =	sor.u32 $0xD0000000, s2;
	s6 =	simm.s32 $0x108;
	_ =	swait.ge @!p0 [sflag:s8], $0x0  }
0x24: {  	s3 =	sadd.s32 $0x88, s3;
	s6 =	simm.s32 @!p1 $0x1082;
	[sflag:s4] =	ssyncset.s32 $0xFFFFF086  }
0x25: {  	[simem:s6], [sflag:s4] =	dma.local [hbm:s3], $0xF7A  }
0x26: {  	[smem:$0x3F92] =	sst s1;
	(tag) =	ssettag s2;
	_ =	strace s9  }
0x27: {  	s1 =	sld [smem:$0x3FA2]  }
0x28: {  	s2 =	sld [smem:$0x3FA3]  }
0x29: {  	s4 =	sld [smem:$0x3FA5]  }
0x2a: {  	p0 =	seq.s32 s5, $0x0;
	s5 =	sld [smem:$0x3FA6]  }
0x2b: {  	s6 =	sld [smem:$0x3FA7]  }
0x2c: {  	s7 =	sld [smem:$0x3FA8]  }
0x2d: {  	s3 =	simm.s32 $0x108;
	s8 =	sld [smem:$0x3FA9]  }
0x2e: {  	s3 =	simm.s32 @!p0 $0x1082;
	s9 =	sld [smem:$0x3FAA]  }
0x2f: {  	lr =	sadd.s32 s0, s3;
	s0 =	sld [smem:$0x3FA1]  }
0x30: {  	s3 =	sld [smem:$0x3FA4]  }
0x31: {  	[smem:$0x3FAD] =	sst s10  }
0x32: {  	s10 =	sld [smem:$0x3FAB];
	_ =	sdelay $0x3  }
0x33: {  	p0 =	seq.s32 s10, $0x1;
	s10 =	sld [smem:$0x3FAD];
	_ =	sdelay $0x3  }
0x34: {  	[smem:$0x3FAD] =	sst s10  }
0x35: {  	s10 =	sld [smem:$0x3FAC];
	_ =	sdelay $0x3  }
0x36: {  	p1 =	seq.s32 s10, $0x1;
	s10 =	sld [smem:$0x3FAD];
	_ =	sdelay $0x3  }
0x37: {  	[smem:$0x3FAD] =	sst s10  }
0x38: {  	s10 =	sld [smem:$0x3FAE]  }
0x39: {  	_ = 	snop;
	(pc) =	sbr.ind lr, $3  }
0x3a: {  	_ = 	snop  }
0x3b: {  	_ = 	snop  }
0x3c: {  	p2 =	seq.s32 s10, $0x1;
	s10 =	sld [smem:$0x3FAD]  }
0x3d: {  	_ =	shalt  }
0x3e: {  	_ =	shalt  }
0x3f: {  	_ =	shalt  }
0x40: {  	_ =	shalt  }
0x41: {  	_ =	shalt  }
0x42: {  	_ =	shalt  }
0x43: {  	_ =	shalt  }
0x44: {  	_ =	shalt  }
0x45: {  	_ =	shalt  }
0x46: {  	_ =	shalt  }
0x47: {  	_ =	shalt  }
0x48: {  	_ =	shalt  }
0x49: {  	_ =	shalt  }
0x4a: {  	_ =	shalt  }
0x4b: {  	_ =	shalt  }
0x4c: {  	_ =	shalt  }
0x4d: {  	_ =	shalt  }
0x4e: {  	_ =	shalt  }
0x4f: {  	_ =	shalt  }
0x50: {  	_ =	shalt  }
0x51: {  	_ =	shalt  }
0x52: {  	_ =	shalt  }
0x53: {  	_ =	shalt  }
0x54: {  	_ =	shalt  }
0x55: {  	_ =	shalt  }
0x56: {  	_ =	shalt  }
0x57: {  	_ =	shalt  }
0x58: {  	_ =	shalt  }
0x59: {  	_ =	shalt  }
0x5a: {  	_ =	shalt  }
0x5b: {  	_ =	shalt  }
0x5c: {  	_ =	shalt  }
0x5d: {  	_ =	shalt  }
0x5e: {  	_ =	shalt  }
0x5f: {  	_ =	shalt  }
0x60: {  	_ =	shalt  }
0x61: {  	_ =	shalt  }
0x62: {  	_ =	shalt  }
0x63: {  	_ =	shalt  }
0x64: {  	_ =	shalt  }
0x65: {  	_ =	shalt  }
0x66: {  	_ =	shalt  }
0x67: {  	_ =	shalt  }
0x68: {  	_ =	shalt  }
0x69: {  	_ =	shalt  }
0x6a: {  	_ =	shalt  }
0x6b: {  	_ =	shalt  }
0x6c: {  	_ =	shalt  }
0x6d: {  	_ =	shalt  }
0x6e: {  	_ =	shalt  }
0x6f: {  	_ =	shalt  }
0x70: {  	_ =	shalt  }
0x71: {  	_ =	shalt  }
0x72: {  	_ =	shalt  }
0x73: {  	_ =	shalt  }
0x74: {  	_ =	shalt  }
0x75: {  	_ =	shalt  }
0x76: {  	_ =	shalt  }
0x77: {  	_ =	shalt  }
0x78: {  	_ =	shalt  }
0x79: {  	_ =	shalt  }
0x7a: {  	_ =	shalt  }
0x7b: {  	_ =	shalt  }
0x7c: {  	_ =	shalt  }
0x7d: {  	_ =	shalt  }
0x7e: {  	_ =	shalt  }
0x7f: {  	_ =	shalt  }
0x80: {  	_ =	shalt  }
0x81: {  	_ =	shalt  }
0x82: {  	_ =	shalt  }
0x83: {  	_ =	shalt  }
0x84: {  	_ =	shalt  }
0x85: {  	_ =	shalt  }
0x86: {  	_ =	shalt  }
0x87: {  	_ =	shalt  }
.Lfunc_end0:
.L_simem_size_0:
called_computation_lowered:
.L_overlay_start_0:
0x88: {  	s2 =	sld [smem:$0x3FD9]  }
0x89: {  	s3 =	sld [smem:$0x3FFE];
	_ =	sdelay $0x1  }
0x8a: {  	s1 =	srdreg.scid  }
0x8b: {  	s0 =	sand.u32 $0x1, s1  }
0x8c: {  	s16 =	sshll.u32 s0, $0xA;
	s2 =	sadd.s32 s3, s2  }
0x8d: {  	s2 =	sadd.s32 s2, s16  }
0x8e: {  	[smem:$0x3FB9] =	sst s2  }
0x8f: {  	_ = 	snop  }
0x90: {  	(tm) =	ssettm $0x1  }
0x91: {  	s17 =	sld [smem:$0x3FFB];
	_ =	sdelay $0x3  }
0x92: {  	_ =	strace s17  }
0x93: {  	s2 =	sld [smem:$0x3FFC];
	_ =	sdelay $0x3  }
0x94: {  	_ =	strace s2  }
0x95: {  	s2 =	sld [smem:$0x3FFD];
	_ =	sdelay $0x3  }
0x96: {  	_ =	strace s2  }
0x97: {  	_ =	strace $0x8FFFFFFF  }
0x98: {  	s18 =	sld [smem:$0x3FDB];
	_ =	sdelay $0x1  }
0x99: {  	s19 =	simm.s32 $_scs_section_size  }
0x9a: {  	s4 =	simm.s32 $_size__tile_overlayer_lowered;
	s5 =	simm.s32 $_tile_overlayer_lowered  }
0x9b: {  	s22 =	simm.s32 $0x1BFF;
	s21 =	sshll.u32 s5, $0x1;
	s2 =	sadd.s32 s19, s18  }
0x9c: {  	s6 =	simm.s32 $0x0;
	s20 =	sshll.u32 s4, $0x1;
	s4 =	sadd.s32 s21, s2  }
0x9d: {  	[timem:s6], [sflag:s22] =	dma.local [hbm:s4], s20  }
0x9e: {  	_ =	swait.ge [sflag:s22], s20  }
0x9f: {  	s3 =	ssub.s32 $0x0, s20;
	[sflag:s22] =	ssyncset.done $0x0  }
0xa0: {  	[sflag:s22] =	ssyncadd.s32 s3;
	_ =	sdelay $0x1  }
0xa1: {  	s23 =	simm.s32 $0x1B8B  }
0xa2: {  	_ =	swait.ge [sflag:s23], $0x1  }
0xa3: {  	[sflag:s23] =	ssyncset.done $0x0  }
0xa4: {  	s25 =	simm.s32 $0x1B8E;
	s24 =	sld [smem:$0x3FFE];
	[sflag:s23] =	ssyncadd.s32 $0xFFFFFFFF  }
0xa5: {  	s26 =	simm.s32 $execute0_lowered;
	[smem:$0x3FD2] =	sst s25  }
0xa6: {  	s4 =	sshll.u32 s26, $0x1;
	_ =	strace $0x80000046;
	[dreg:$0x1] =	wrdreg $0xFFFFFFFF  }
0xa7: {  	s28 =	simm.s32 $_size_execute0_lowered;
	s2 =	sadd.s32 s2, s4;
	[dreg:$0x0] =	wrdreg $0x0  }
0xa8: {  	s4 =	sshll.u32 s28, $0x1;
	[dreg:$0x2] =	wrdreg s2  }
0xa9: {  	[dreg:$0x3] =	wrdreg s4  }
0xaa: {  	[dreg:$0x4] =	wrdreg $0xC0  }
0xab: {  	_ =	task [dreg:s6], $0x5FFFF  }
0xac: {  	[dreg:$0x1] =	wrdreg $0xFFFFFFFF  }
0xad: {  	[dreg:$0x0] =	wrdreg $0x60  }
0xae: {  	[dreg:$0x2] =	wrdreg s24  }
0xaf: {  	[dreg:$0x3] =	wrdreg $0x76800  }
0xb0: {  	[dreg:$0x4] =	wrdreg $0x9  }
0xb1: {  	_ =	task.clear_ibuf [dreg:s6], $0x5FFFF;
	_ =	strace $0x90000046  }
0xb2: {  	s29 =	simm.s32 $0x9;
	_ =	strace $0x80000048  }
0xb3: {  	_ =	swait.ge [sflag:s29], $0x1  }
0xb4: {  	[sflag:s29] =	ssyncadd.s32 $0xFFFFFFFF  }
0xb5: {  	_ =	strace $0x90000048  }
0xb6: {  	_ =	sfence  }
0xb7: {  	s30 =	sld [smem:$0x0];
	_ =	sdelay $0x2  }
0xb8: {  	s31 =	sshll.u32 s1, $0xD;
	s1 =	sshrl.u32 s1, $0x2  }
0xb9: {  	s3 =	sand.u32 $0x4000, s31;
	s1 =	sadd.s32 s1, s30  }
0xba: {  	s0 =	sor.u32 s3, s0;
	s1 =	sshll.u32 s1, $0x11  }
0xbb: {  	s0 =	sor.u32 s1, s0  }
0xbc: {  	s0 =	sadd.s32 $0x8F2B, s0  }
0xbd: {  	[sflag:s0] =	ssyncadd.remote.s32 $0x1  }
0xbe: {  	_ =	sfence.sel $0xFFFF  }
0xbf: {  	[dreg:$0x0] =	wrdreg $0xFFFFFFFF;
	(pc) =	sbr.abs _section_cstart, $3  }
0xc0: {  	[dreg:$0x1] =	wrdreg $0xFFFFFFFF  }
0xc1: {  	_ =	task.clear_ibuf [dreg:s6], $0x2FFFF;
	_ =	strace $0x9FFFFFFF  }
0xc2: {  	(tm) =	ssettm $0x7FFFFFFF  }
0xc3: {  	_ =	shalt  }
tec
execute0_lowered:
.L_overlay_start_1:
0x0: {  	(tag) =	ssettag $0x1  }
0x1: {  	s3 =	rddreg [dreg:$0x0]  }
0x2: {  	s0 =	srdreg.scid;
	s1 =	rddreg [dreg:$0x1]  }
0x3: {  	s6 =	stileid.u32;
	s2 =	simm.s32 $0x0;
	s9 =	simm.s32 $0x2780  }
0x4: {  	s11 =	simm.s32 $0x0;
	s4 =	sand.u32 $0x1, s0;
	s0 =	rddreg [dreg:$0x2]  }
0x5: {  	[smem:$0x7FF] =	sst s2;
	p0 =	sne.s32 s6, $0x0;
	s5 =	sshll.u32 s4, $0x4  }
.Ltmp0:
0x6: {  	s4 =	ssub.s32 $0x2, s4;
	_ =	strace $0x80000047;
	(pc) =	sbr.rel .LBB2_1-.Ltmp0, $4  }
0x7: {  	s10 =	sshrl.u32 @!p0 s1, $0x3;
	s7 =	sor.u32 s6, s5;
	s8 =	sshrl.u32 s4, $0x1  }
0x8: {  	s5 =	sadd.s32 s5, s3;
	s7 =	smul.u32 $0x4E2, s7;
	s8 =	ssub.s32 s4, s8  }
0x9: {  	s6 =	simm.s32 $0x4F00;
	s4 =	sadd.s32 $0x9E00, s5;
	s5 =	smax.u32 s8, $0x1  }
0xa: {  	v0 =	vimm.f32 $1.000000000e+00;
	v1 =	vimm.f32 $0.0e+00;
	s8 =	simm.s32 $0x2710;
	s3 =	sadd.s32 s3, s7;
	s7 =	simm.s32 $0x1  }
.LBB2_6:
0xb: {  	[tilespmem:s13+$0x4F00] =	vst v1  }
0xc: {  	[spmem:s1] =	stream.linear.scatter [tilespmem:s6], [sflag:$0x1], $0x2780, $0x38;
	[tilespmem:$0x78F8] =	vst v63  }
0xd: {  	_ =	swait.ge [sflag:s7], $0x2780  }
0xe: {  	[sflag:s7] =	ssyncset.done $0x0  }
0xf: {  	[sflag:s7] =	ssyncadd.s32 $0xFFFFD880  }
.LBB2_7:
0x10: {  	[tilespmem:s2], [sflag:$0x1] =	stream.linear.gather [hbm4b:s3+s2], $0x2710, $0x38;
	[tilespmem:$0x78F8] =	vst v63  }
0x11: {  	_ =	swait.ge [sflag:s7], $0x2710  }
0x12: {  	[sflag:s7] =	ssyncset.done $0x0  }
0x13: {  	[sflag:s7] =	ssyncadd.s32 $0xFFFFD8F0  }
0x14: {  	[bflag:$0x0] =	sbarrier.arrive $0xFFFF  }
0x15: {  	[spmem:s1] =	stream.indirect.scatter.add.f32 [tilespmem:s9], [sflag:$0x1], $0x1, s2, s8, $0xb8;
	[tilespmem:$0x78F8] =	vst v63  }
0x16: {  	s12 =	simm.s32 @!p0 $0x1;
	_ =	swait.ge [sflag:s7], $0x2710  }
0x17: {  	s13 =	simm.s32 @!p0 $0x20;
	s11 =	sadd.s32 $0x1, s11;
	[sflag:s7] =	ssyncset.done $0x0  }
0x18: {  	s14 =	simm.s32 @!p0 $0x10;
	p1 =	sne.s32 s11, s5;
	[sflag:s7] =	ssyncadd.s32 $0xFFFFD8F0  }
.Ltmp1:
0x19: {  	s15 =	simm.s32 @!p0 $0x1C01;
	[bflag:$0x0] =	sbarrier.arrive $0xFFFF;
	(pc) =	sbr.rel @!p1 .LBB2_8-.Ltmp1, $4  }
0x1a: {  	[hbm:s4@s13], [sflag:s15] =	dma.strided @!p0 [spmem:s10@s14], $0x4F0, s12, $0x10   }
0x1b: {  	_ =	swait.ge @!p0 [sflag:s12], $0x4F0  }
0x1c: {  	[sflag:s12] =	ssyncset.done @!p0 $0x0  }
0x1d: {  	[sflag:s12] =	ssyncadd.s32 @!p0 $0xFFFFFB10  }
.LBB2_1:
0x1e: {  	s12 =	simm.s32 $0x40;
	s13 =	simm.s32 $0x0  }
.LBB2_2:
0x1f: {  	p1 =	sne.s32 s12, $0x9C00;
	[tilespmem:s13+$0x2780] =	vst v0;
	s13 =	smov.u32 s12;
	s12 =	sadd.s32 $0x40, s12  }
.Ltmp2:
0x20: {  	(pc) =	sbr.rel @p1 .LBB2_2-.Ltmp2, $2  }
0x21: {  	_ =	sdelay $0x2  }
0x22: {  	s13 =	sshra.s32 s13, $0x2  }
.Ltmp3:
0x23: {  	(pc) =	sbr.rel @p0 .LBB2_7-.Ltmp3, $2  }
0x24: {  	_ =	sdelay $0x2  }
0x25: {  	[tilespmem:s13+$0x2780] =	vst v0  }
0x26: {  	s12 =	simm.s32 $0x40;
	s13 =	simm.s32 $0x0  }
.LBB2_5:
0x27: {  	p1 =	sne.s32 s12, $0x9C00;
	[tilespmem:s13+$0x4F00] =	vst v1;
	s13 =	smov.u32 s12;
	s12 =	sadd.s32 $0x40, s12  }
.Ltmp4:
0x28: {  	(pc) =	sbr.rel @p1 .LBB2_5-.Ltmp4, $2  }
0x29: {  	_ =	sdelay $0x2  }
0x2a: {  	s13 =	sshra.s32 s13, $0x2  }
.Ltmp5:
0x2b: {  	_ = 	snop;
	(pc) =	sbr.rel .LBB2_6-.Ltmp5, $1  }
0x2c: {  	_ =	sdelay $0x3  }
.LBB2_8:
0x2d: {  	_ =	sfence.sel $0x180000  }
0x2e: {  	[bflag:$0x0] =	sbarrier.arrive $0xFFFF  }
0x2f: {  	_ =	strace $0x90000047  }
0x30: {  	s0 =	sadd.s32 @!p0 $0x100000, s0;
	[bflag:$0x2] =	sbarrier.arrive $0xFFFF  }
0x31: {  	[sflag:s0] =	ssyncadd.tile.s32 @!p0 $0x1;
	_ =	shalt  }
.Lfunc_end2:
_tile_overlayer_lowered:
.L_overlay_start_2:
0x32: {  	(tag) =	ssettag $0x2  }
0x33: {  	s0 =	rddreg [dreg:$0x0];
	s2 =	stileid.u32  }
0x34: {  	s1 =	rddreg [dreg:$0x1];
	p0 =	sne.s32 s2, $0x0  }
0x35: {  	s3 =	rddreg [dreg:$0x2];
	[bflag:$0x3] =	sbarrier.arrive $0xFFFF;
	s2 =	simm.s32 @!p0 $0x1C01  }
0x36: {  	[timem:s3], [sflag:s2] =	dma.local @!p0 [hbm:s0], s1  }
0x37: {  	s0 =	simm.s32 @!p0 $0x1  }
0x38: {  	_ =	swait.ge @!p0 [sflag:s0], s1  }
0x39: {  	s1 =	ssub.s32 @!p0 $0x0, s1;
	[sflag:s0] =	ssyncset.done @!p0 $0x0  }
0x3a: {  	[sflag:s0] =	ssyncadd.s32 @!p0 s1  }
0x3b: {  	[bflag:$0x3] =	sbarrier.arrive $0xFFFF  }
0x3c: {  	_ =	shalt  }

</sc_bundles>
